<compile_context>
chip_gen: v7x
topology: tpu7x:2x2x1
jax: 0.10.2.dev20260603
libtpu: 0.0.44.dev20260713+nightly
codegen_flags: <defaults>
</compile_context>

<pallas_src>
import jax
import jax.numpy as jnp
from jax import lax
from jax.experimental import pallas as pl
from jax.experimental.pallas import tpu as pltpu
from jax.experimental.pallas import tpu_sc as plsc

NX = 512
NY = 512
G = NX * NY
C = 64
B = 4
P = 40000

NC = 2
NS = 16
NG = 8
CH = 1280
PB_BATCH = P // B
BBLK = NG * CH
PPAD = B * BBLK
GS = G // NG
NPL = C + 1

FEAT_WORDS = B * C * G
PTS_WORDS = B * G

PB_STAGE = (CH // 16) * C
ZB = 2048


def _sc_body(coords_hbm, feats_hbm, npts_hbm, fout, pout,
             crow, pidx, ftT, fstage, zbuf, planeA, planeB, sem_out, sem_in):
    cid = lax.axis_index("c")
    sid = lax.axis_index("s")
    grp = sid // NG
    gs = sid % NG
    bt = cid * 2 + grp
    base = bt * BBLK + gs * CH

    for r in range(4):
        pltpu.sync_copy(coords_hbm.at[r, pl.ds(base, CH)],
                        crow.at[pl.ds(r * CH, CH)])
    pltpu.sync_copy(npts_hbm.at[pl.ds(base, CH)],
                    ftT.at[pl.ds(C * CH, CH)])

    def _idx_body(v, _):
        bv = crow[pl.ds(0 * CH + v * 16, 16)]
        lin = (crow[pl.ds(1 * CH + v * 16, 16)]
               + crow[pl.ds(2 * CH + v * 16, 16)] * NX
               + crow[pl.ds(3 * CH + v * 16, 16)])
        pidx[v // 8, pl.ds((v % 8) * 16, 16)] = jnp.where(bv == bt, lin, G)
        return 0

    lax.fori_loop(0, CH // 16, _idx_body, 0)

    NCHK = 16
    PB = CH // NCHK

    def _chunk(ch, _):
        pltpu.sync_copy(feats_hbm.at[pl.ds((base + ch * PB) * C, PB * C)],
                        fstage)

        def _tr(v, _):
            vreg = fstage[pl.ds(v * 16, 16)]
            p_loc = ch * PB + v // 4
            idx = (lax.iota(jnp.int32, 16) + (v % 4) * 16) * CH + p_loc
            plsc.store_scatter(ftT, [idx], vreg)
            return 0

        lax.fori_loop(0, PB * 4, _tr, 0)
        return 0

    lax.fori_loop(0, NCHK, _chunk, 0)

    def _zb(v, _):
        zbuf[pl.ds(v * 16, 16)] = jnp.zeros((16,), jnp.float32)
        return 0

    lax.fori_loop(0, ZB // 16, _zb, 0)

    stripe_sl = pl.ds(gs * GS, GS)

    def _for_group(fn):
        @pl.when(grp == 0)
        def _():
            fn(planeA)

        @pl.when(grp == 1)
        def _():
            fn(planeB)

    def _plane(k, _):
        def _wait(buf):
            pltpu.make_async_copy(
                buf.at[stripe_sl],
                fout.at[pl.ds(gs * GS, GS)],
                sem_out).wait()

        @pl.when(k >= 1)
        def _():
            _for_group(_wait)

        def _zero(buf):
            for zc in range(GS // ZB):
                pltpu.sync_copy(zbuf, buf.at[pl.ds(gs * GS + zc * ZB, ZB)])

        _for_group(_zero)
        plsc.subcore_barrier()

        def _scatter(buf):
            handles = []
            for row in range(10):
                d = pltpu.make_async_copy(
                    ftT.at[pl.ds(k * CH + row * 128, 128)],
                    buf.at[pidx.at[row]],
                    sem_in)
                d.start(add=True)
                handles.append(d)
            for h in handles:
                h.wait()

        _for_group(_scatter)
        plsc.subcore_barrier()

        def _fire(buf):
            @pl.when(k < C)
            def _():
                pltpu.async_copy(
                    buf.at[stripe_sl],
                    fout.at[pl.ds((bt * C + k) * G + gs * GS, GS)],
                    sem_out)

            @pl.when(k >= C)
            def _():
                pltpu.async_copy(
                    buf.at[stripe_sl],
                    pout.at[pl.ds(bt * G + gs * GS, GS)],
                    sem_out)

        _for_group(_fire)
        return 0

    lax.fori_loop(0, NPL, _plane, 0)

    def _drain(buf):
        pltpu.make_async_copy(
            buf.at[stripe_sl],
            fout.at[pl.ds(gs * GS, GS)],
            sem_out).wait()

    _for_group(_drain)


def _make_sc():
    mesh = plsc.VectorSubcoreMesh(core_axis_name="c", subcore_axis_name="s")
    return pl.kernel(
        _sc_body,
        out_type=(
            jax.ShapeDtypeStruct((FEAT_WORDS,), jnp.float32),
            jax.ShapeDtypeStruct((PTS_WORDS,), jnp.float32),
        ),
        mesh=mesh,
        scratch_types=[
            pltpu.VMEM((4 * CH,), jnp.int32),
            pltpu.VMEM((10, 128), jnp.int32),
            pltpu.VMEM(((C + 1) * CH,), jnp.float32),
            pltpu.VMEM((PB_STAGE,), jnp.float32),
            pltpu.VMEM((ZB,), jnp.float32),
            pltpu.VMEM_SHARED((G + 8,), jnp.float32),
            pltpu.VMEM_SHARED((G + 8,), jnp.float32),
            pltpu.SemaphoreType.DMA,
            pltpu.SemaphoreType.DMA,
        ],
        compiler_params=pltpu.CompilerParams(needs_layout_passes=False),
    )


def kernel(pillar_features, voxel_coords, voxel_num_points):
    coords = voxel_coords.astype(jnp.int32).T

    hpad = BBLK - PB_BATCH
    cpad = jnp.broadcast_to(
        jnp.array([[B], [0], [0], [0]], jnp.int32), (4, hpad))
    cparts = []
    fparts = []
    nparts = []
    fpad = jnp.zeros((hpad, C), jnp.float32)
    npad = jnp.zeros((hpad,), jnp.float32)
    for b in range(B):
        lo, hi = b * PB_BATCH, (b + 1) * PB_BATCH
        cparts += [coords[:, lo:hi], cpad]
        fparts += [pillar_features[lo:hi], fpad]
        nparts += [voxel_num_points[lo:hi], npad]
    coords_p = jnp.concatenate(cparts, axis=-1)
    feats_p = jnp.concatenate(fparts, axis=0).reshape(PPAD * C)
    npts_p = jnp.concatenate(nparts, axis=-1)

    fflat, pflat = _make_sc()(coords_p, feats_p, npts_p)
    return (fflat.reshape(B, C, NY, NX), pflat.reshape(B, 1, NY, NX))

# --- scband reference (transcript-rebuilt; emitter-appended) ---
"""Pipeline reference for scband-point-pillar-scatter-8753143349331 (READ-ONLY COPY).

The authoritative reference and input builder live on the scoring server;
editing this copy changes nothing except your own understanding.
"""

import jax, jax.numpy as jnp
import numpy as np

NX, NY, NZ = 512, 512, 1
C = 64
B = 4
P = 40000


def setup_inputs(seed: int = 0) -> dict:
    key = jax.random.key(seed)
    k1, k2 = jax.random.split(key, 2)
    pillar_features = jax.random.normal(k1, (P, C), dtype=jnp.float32)
    # coords columns follow the module's indexing: [batch_idx, z, y, x]
    # indices = coords[:,1] + coords[:,2]*nx + coords[:,3]  (z=0 since nz==1)
    rng = np.random.default_rng(0)
    per = P // B
    coords = np.zeros((P, 4), dtype=np.int64)
    for b in range(B):
        lin = rng.choice(NX * NY, size=per, replace=False)  # unique pillar cells per sample
        y = lin // NX
        x = lin % NX
        sl = slice(b * per, (b + 1) * per)
        coords[sl, 0] = b
        coords[sl, 1] = 0
        coords[sl, 2] = y
        coords[sl, 3] = x
    voxel_coords = jnp.asarray(coords)
    voxel_num_points = jax.random.uniform(k2, (P,), dtype=jnp.float32, minval=1.0, maxval=32.0)
    return {
        "pillar_features": pillar_features,
        "voxel_coords": voxel_coords,
        "voxel_num_points": voxel_num_points,
    }


def reference(pillar_features, voxel_coords, voxel_num_points):
    batch_size = B
    G = NZ * NX * NY
    b = voxel_coords[:, 0]
    lin = (voxel_coords[:, 1] + voxel_coords[:, 2] * NX + voxel_coords[:, 3]).astype(jnp.int32)
    # spatial_feature[:, indices] = pillars.t()  ->  scatter-overwrite into dense BEV grid
    spatial_features = jnp.zeros((batch_size, C, G), dtype=pillar_features.dtype)
    spatial_features = spatial_features.at[b, :, lin].set(pillar_features)
    spatial_points = jnp.zeros((batch_size, 1, G), dtype=pillar_features.dtype)
    spatial_points = spatial_points.at[b, 0, lin].set(voxel_num_points)
    spatial_features = spatial_features.reshape(batch_size, C * NZ, NY, NX)
    spatial_points = spatial_points.reshape(batch_size, 1 * NZ, NY, NX)
    return (spatial_features, spatial_points)

if __name__ == "__main__":
    import jax
    _d = setup_inputs()
    print(jax.jit(kernel)(*tuple(_d.values())))

</pallas_src>

<mosaic_0001>
#map = affine_map<(d0, d1) -> (0, 0)>
#map1 = affine_map<(d0, d1) -> (0)>
module attributes {stable_mosaic.version = 14 : i64} {
  func.func @_sc_body(%arg0: i32, %arg1: i32, %arg2: memref<4x40960xi32, #tpu.memory_space<hbm>>, %arg3: memref<2621440xf32, #tpu.memory_space<hbm>>, %arg4: memref<40960xf32, #tpu.memory_space<hbm>>, %arg5: memref<67108864xf32, #tpu.memory_space<hbm>>, %arg6: memref<1048576xf32, #tpu.memory_space<hbm>>, %arg7: memref<5120xi32, #tpu.memory_space<vmem>>, %arg8: memref<10x128xi32, #tpu.memory_space<vmem>>, %arg9: memref<83200xf32, #tpu.memory_space<vmem>>, %arg10: memref<5120xf32, #tpu.memory_space<vmem>>, %arg11: memref<2048xf32, #tpu.memory_space<vmem>>, %arg12: memref<262152xf32, #tpu.memory_space<vmem_shared>>, %arg13: memref<262152xf32, #tpu.memory_space<vmem_shared>>, %arg14: memref<!tpu.dma_semaphore, #tpu.memory_space<semaphore_mem>>, %arg15: memref<!tpu.dma_semaphore, #tpu.memory_space<semaphore_mem>>) attributes {dimension_semantics = [#tpu.dimension_semantics<core_parallel>, #tpu.dimension_semantics<subcore_parallel>], iteration_bounds = array<i64: 2, 16>, scalar_prefetch = 0 : i64, scratch_operands = 9 : i64, tpu.core_type = #tpu.core_type<sc_vector_subcore>, window_params = [{transform_indices = #map}, {transform_indices = #map1}, {transform_indices = #map1}, {transform_indices = #map1}, {transform_indices = #map1}]} {
    %jit3A = arith.constant 8 : i32
    %div3A = arith.divsi %arg1, %jit3A : i32
    %sign3A = arith.constant 0 : i32
    %sign3A_0 = arith.cmpi sgt, %arg1, %sign3A : i32
    %sign3A_1 = arith.extui %sign3A_0 : i1 to i32
    %sign3A_2 = arith.constant 0 : i32
    %sign3A_3 = arith.cmpi slt, %arg1, %sign3A_2 : i32
    %sign3A_4 = arith.extui %sign3A_3 : i1 to i32
    %sign3A_5 = arith.subi %sign3A_1, %sign3A_4 : i32
    %sign3A_6 = arith.constant 0 : i32
    %sign3A_7 = arith.cmpi sgt, %jit3A, %sign3A_6 : i32
    %sign3A_8 = arith.extui %sign3A_7 : i1 to i32
    %sign3A_9 = arith.constant 0 : i32
    %sign3A_10 = arith.cmpi slt, %jit3A, %sign3A_9 : i32
    %sign3A_11 = arith.extui %sign3A_10 : i1 to i32
    %sign3A_12 = arith.subi %sign3A_8, %sign3A_11 : i32
    %ne3A = arith.cmpi ne, %sign3A_5, %sign3A_12 : i32
    %rem3A = arith.remsi %arg1, %jit3A : i32
    %ne3A_13 = arith.constant 0 : i32
    %ne3A_14 = arith.cmpi ne, %rem3A, %ne3A_13 : i32
    %and3A = arith.andi %ne3A, %ne3A_14 : i1
    %sub3A = arith.constant 1 : i32
    %sub3A_15 = arith.subi %div3A, %sub3A : i32
    %select_n3A = arith.select %and3A, %sub3A_15, %div3A : i32
    %jit3A_16 = arith.constant 8 : i32
    %eq3A = arith.constant 0 : i32
    %eq3A_17 = arith.cmpi eq, %jit3A_16, %eq3A : i32
    %jit3A_18 = arith.constant 1 : i32
    %select_n3A_19 = arith.select %eq3A_17, %jit3A_18, %jit3A_16 : i32
    %rem3A_20 = arith.remsi %arg1, %select_n3A_19 : i32
    %ne3A_21 = arith.constant 0 : i32
    %ne3A_22 = arith.cmpi ne, %rem3A_20, %ne3A_21 : i32
    %lt3A = arith.constant 0 : i32
    %lt3A_23 = arith.cmpi slt, %rem3A_20, %lt3A : i32
    %lt3A_24 = arith.constant 0 : i32
    %lt3A_25 = arith.cmpi slt, %select_n3A_19, %lt3A_24 : i32
    %ne3A_26 = arith.xori %lt3A_23, %lt3A_25 : i1
    %and3A_27 = arith.andi %ne3A_26, %ne3A_22 : i1
    %add3A = arith.addi %rem3A_20, %select_n3A_19 : i32
    %select_n3A_28 = arith.select %and3A_27, %add3A, %rem3A_20 : i32
    %mul3A = arith.constant 2 : i32
    %mul3A_29 = arith.muli %arg0, %mul3A : i32
    %add3A_30 = arith.addi %mul3A_29, %select_n3A : i32
    %mul3A_31 = arith.constant 10240 : i32
    %mul3A_32 = arith.muli %add3A_30, %mul3A_31 : i32
    %mul3A_33 = arith.constant 1280 : i32
    %mul3A_34 = arith.muli %select_n3A_28, %mul3A_33 : i32
    %add3A_35 = arith.addi %mul3A_32, %mul3A_34 : i32
    %run_scoped3A = arith.constant 0 : i32
    "tpu.region"() ({
      %run_scoped3A_76 = tpu.sem_alloc : memref<!tpu.dma_semaphore, #tpu.memory_space<semaphore_mem>>
      %dma_start3A = arith.constant 0 : i32
      %dma_start3A_77 = tpu.memref_slice %arg7[%dma_start3A] : memref<5120xi32, #tpu.memory_space<vmem>> -> memref<1280xi32, #tpu.memory_space<vmem>>
      %dma_start3A_78 = tpu.memref_slice %arg2[%run_scoped3A, %add3A_35] : memref<4x40960xi32, #tpu.memory_space<hbm>> -> memref<1x1280xi32, #tpu.memory_space<hbm>>
      %dma_start3A_79 = tpu.memref_squeeze %dma_start3A_78 : memref<1x1280xi32, #tpu.memory_space<hbm>> -> memref<1280xi32, #tpu.memory_space<hbm>>
      %dma_start3A_80 = arith.constant 0 : i32
      %dma_start3A_81 = tpu.memref_slice %arg7[%dma_start3A_80] : memref<5120xi32, #tpu.memory_space<vmem>> -> memref<1280xi32, #tpu.memory_space<vmem>>
      %dma_start3A_82 = tpu.memref_slice %arg2[%run_scoped3A, %add3A_35] : memref<4x40960xi32, #tpu.memory_space<hbm>> -> memref<1x1280xi32, #tpu.memory_space<hbm>>
      %dma_start3A_83 = tpu.memref_squeeze %dma_start3A_82 : memref<1x1280xi32, #tpu.memory_space<hbm>> -> memref<1280xi32, #tpu.memory_space<hbm>>
      tpu.enqueue_dma source(%dma_start3A_83 : memref<1280xi32, #tpu.memory_space<hbm>>) target(%dma_start3A_81 : memref<1280xi32, #tpu.memory_space<vmem>>) target_semaphore(%run_scoped3A_76 : memref<!tpu.dma_semaphore, #tpu.memory_space<semaphore_mem>>)
      %dma_wait3A = arith.constant 0 : i32
      %dma_wait3A_84 = tpu.memref_slice %arg7[%dma_wait3A] : memref<5120xi32, #tpu.memory_space<vmem>> -> memref<1280xi32, #tpu.memory_space<vmem>>
      %dma_wait3A_85 = tpu.memref_slice %arg2[%run_scoped3A, %add3A_35] : memref<4x40960xi32, #tpu.memory_space<hbm>> -> memref<1x1280xi32, #tpu.memory_space<hbm>>
      %dma_wait3A_86 = tpu.memref_squeeze %dma_wait3A_85 : memref<1x1280xi32, #tpu.memory_space<hbm>> -> memref<1280xi32, #tpu.memory_space<hbm>>
      %dma_wait3A_87 = arith.constant 0 : i32
      %dma_wait3A_88 = tpu.memref_slice %arg7[%dma_wait3A_87] : memref<5120xi32, #tpu.memory_space<vmem>> -> memref<1280xi32, #tpu.memory_space<vmem>>
      %dma_wait3A_89 = tpu.memref_slice %arg2[%run_scoped3A, %add3A_35] : memref<4x40960xi32, #tpu.memory_space<hbm>> -> memref<1x1280xi32, #tpu.memory_space<hbm>>
      %dma_wait3A_90 = tpu.memref_squeeze %dma_wait3A_89 : memref<1x1280xi32, #tpu.memory_space<hbm>> -> memref<1280xi32, #tpu.memory_space<hbm>>
      tpu.wait_dma2 semaphore(%run_scoped3A_76 : memref<!tpu.dma_semaphore, #tpu.memory_space<semaphore_mem>>) src(%dma_wait3A_90 : memref<1280xi32, #tpu.memory_space<hbm>>) dst(%dma_wait3A_88 : memref<1280xi32, #tpu.memory_space<vmem>>)
      tpu.yield
    }) : () -> ()
    %run_scoped3A_36 = arith.constant 1 : i32
    "tpu.region"() ({
      %run_scoped3A_76 = tpu.sem_alloc : memref<!tpu.dma_semaphore, #tpu.memory_space<semaphore_mem>>
      %dma_start3A = arith.constant 1280 : i32
      %dma_start3A_77 = tpu.memref_slice %arg7[%dma_start3A] : memref<5120xi32, #tpu.memory_space<vmem>> -> memref<1280xi32, #tpu.memory_space<vmem>>
      %dma_start3A_78 = tpu.memref_slice %arg2[%run_scoped3A_36, %add3A_35] : memref<4x40960xi32, #tpu.memory_space<hbm>> -> memref<1x1280xi32, #tpu.memory_space<hbm>>
      %dma_start3A_79 = tpu.memref_squeeze %dma_start3A_78 : memref<1x1280xi32, #tpu.memory_space<hbm>> -> memref<1280xi32, #tpu.memory_space<hbm>>
      %dma_start3A_80 = arith.constant 1280 : i32
      %dma_start3A_81 = tpu.memref_slice %arg7[%dma_start3A_80] : memref<5120xi32, #tpu.memory_space<vmem>> -> memref<1280xi32, #tpu.memory_space<vmem>>
      %dma_start3A_82 = tpu.memref_slice %arg2[%run_scoped3A_36, %add3A_35] : memref<4x40960xi32, #tpu.memory_space<hbm>> -> memref<1x1280xi32, #tpu.memory_space<hbm>>
      %dma_start3A_83 = tpu.memref_squeeze %dma_start3A_82 : memref<1x1280xi32, #tpu.memory_space<hbm>> -> memref<1280xi32, #tpu.memory_space<hbm>>
      tpu.enqueue_dma source(%dma_start3A_83 : memref<1280xi32, #tpu.memory_space<hbm>>) target(%dma_start3A_81 : memref<1280xi32, #tpu.memory_space<vmem>>) target_semaphore(%run_scoped3A_76 : memref<!tpu.dma_semaphore, #tpu.memory_space<semaphore_mem>>)
      %dma_wait3A = arith.constant 1280 : i32
      %dma_wait3A_84 = tpu.memref_slice %arg7[%dma_wait3A] : memref<5120xi32, #tpu.memory_space<vmem>> -> memref<1280xi32, #tpu.memory_space<vmem>>
      %dma_wait3A_85 = tpu.memref_slice %arg2[%run_scoped3A_36, %add3A_35] : memref<4x40960xi32, #tpu.memory_space<hbm>> -> memref<1x1280xi32, #tpu.memory_space<hbm>>
      %dma_wait3A_86 = tpu.memref_squeeze %dma_wait3A_85 : memref<1x1280xi32, #tpu.memory_space<hbm>> -> memref<1280xi32, #tpu.memory_space<hbm>>
      %dma_wait3A_87 = arith.constant 1280 : i32
      %dma_wait3A_88 = tpu.memref_slice %arg7[%dma_wait3A_87] : memref<5120xi32, #tpu.memory_space<vmem>> -> memref<1280xi32, #tpu.memory_space<vmem>>
      %dma_wait3A_89 = tpu.memref_slice %arg2[%run_scoped3A_36, %add3A_35] : memref<4x40960xi32, #tpu.memory_space<hbm>> -> memref<1x1280xi32, #tpu.memory_space<hbm>>
      %dma_wait3A_90 = tpu.memref_squeeze %dma_wait3A_89 : memref<1x1280xi32, #tpu.memory_space<hbm>> -> memref<1280xi32, #tpu.memory_space<hbm>>
      tpu.wait_dma2 semaphore(%run_scoped3A_76 : memref<!tpu.dma_semaphore, #tpu.memory_space<semaphore_mem>>) src(%dma_wait3A_90 : memref<1280xi32, #tpu.memory_space<hbm>>) dst(%dma_wait3A_88 : memref<1280xi32, #tpu.memory_space<vmem>>)
      tpu.yield
    }) : () -> ()
    %run_scoped3A_37 = arith.constant 2 : i32
    "tpu.region"() ({
      %run_scoped3A_76 = tpu.sem_alloc : memref<!tpu.dma_semaphore, #tpu.memory_space<semaphore_mem>>
      %dma_start3A = arith.constant 2560 : i32
      %dma_start3A_77 = tpu.memref_slice %arg7[%dma_start3A] : memref<5120xi32, #tpu.memory_space<vmem>> -> memref<1280xi32, #tpu.memory_space<vmem>>
      %dma_start3A_78 = tpu.memref_slice %arg2[%run_scoped3A_37, %add3A_35] : memref<4x40960xi32, #tpu.memory_space<hbm>> -> memref<1x1280xi32, #tpu.memory_space<hbm>>
      %dma_start3A_79 = tpu.memref_squeeze %dma_start3A_78 : memref<1x1280xi32, #tpu.memory_space<hbm>> -> memref<1280xi32, #tpu.memory_space<hbm>>
      %dma_start3A_80 = arith.constant 2560 : i32
      %dma_start3A_81 = tpu.memref_slice %arg7[%dma_start3A_80] : memref<5120xi32, #tpu.memory_space<vmem>> -> memref<1280xi32, #tpu.memory_space<vmem>>
      %dma_start3A_82 = tpu.memref_slice %arg2[%run_scoped3A_37, %add3A_35] : memref<4x40960xi32, #tpu.memory_space<hbm>> -> memref<1x1280xi32, #tpu.memory_space<hbm>>
      %dma_start3A_83 = tpu.memref_squeeze %dma_start3A_82 : memref<1x1280xi32, #tpu.memory_space<hbm>> -> memref<1280xi32, #tpu.memory_space<hbm>>
      tpu.enqueue_dma source(%dma_start3A_83 : memref<1280xi32, #tpu.memory_space<hbm>>) target(%dma_start3A_81 : memref<1280xi32, #tpu.memory_space<vmem>>) target_semaphore(%run_scoped3A_76 : memref<!tpu.dma_semaphore, #tpu.memory_space<semaphore_mem>>)
      %dma_wait3A = arith.constant 2560 : i32
      %dma_wait3A_84 = tpu.memref_slice %arg7[%dma_wait3A] : memref<5120xi32, #tpu.memory_space<vmem>> -> memref<1280xi32, #tpu.memory_space<vmem>>
      %dma_wait3A_85 = tpu.memref_slice %arg2[%run_scoped3A_37, %add3A_35] : memref<4x40960xi32, #tpu.memory_space<hbm>> -> memref<1x1280xi32, #tpu.memory_space<hbm>>
      %dma_wait3A_86 = tpu.memref_squeeze %dma_wait3A_85 : memref<1x1280xi32, #tpu.memory_space<hbm>> -> memref<1280xi32, #tpu.memory_space<hbm>>
      %dma_wait3A_87 = arith.constant 2560 : i32
      %dma_wait3A_88 = tpu.memref_slice %arg7[%dma_wait3A_87] : memref<5120xi32, #tpu.memory_space<vmem>> -> memref<1280xi32, #tpu.memory_space<vmem>>
      %dma_wait3A_89 = tpu.memref_slice %arg2[%run_scoped3A_37, %add3A_35] : memref<4x40960xi32, #tpu.memory_space<hbm>> -> memref<1x1280xi32, #tpu.memory_space<hbm>>
      %dma_wait3A_90 = tpu.memref_squeeze %dma_wait3A_89 : memref<1x1280xi32, #tpu.memory_space<hbm>> -> memref<1280xi32, #tpu.memory_space<hbm>>
      tpu.wait_dma2 semaphore(%run_scoped3A_76 : memref<!tpu.dma_semaphore, #tpu.memory_space<semaphore_mem>>) src(%dma_wait3A_90 : memref<1280xi32, #tpu.memory_space<hbm>>) dst(%dma_wait3A_88 : memref<1280xi32, #tpu.memory_space<vmem>>)
      tpu.yield
    }) : () -> ()
    %run_scoped3A_38 = arith.constant 3 : i32
    "tpu.region"() ({
      %run_scoped3A_76 = tpu.sem_alloc : memref<!tpu.dma_semaphore, #tpu.memory_space<semaphore_mem>>
      %dma_start3A = arith.constant 3840 : i32
      %dma_start3A_77 = tpu.memref_slice %arg7[%dma_start3A] : memref<5120xi32, #tpu.memory_space<vmem>> -> memref<1280xi32, #tpu.memory_space<vmem>>
      %dma_start3A_78 = tpu.memref_slice %arg2[%run_scoped3A_38, %add3A_35] : memref<4x40960xi32, #tpu.memory_space<hbm>> -> memref<1x1280xi32, #tpu.memory_space<hbm>>
      %dma_start3A_79 = tpu.memref_squeeze %dma_start3A_78 : memref<1x1280xi32, #tpu.memory_space<hbm>> -> memref<1280xi32, #tpu.memory_space<hbm>>
      %dma_start3A_80 = arith.constant 3840 : i32
      %dma_start3A_81 = tpu.memref_slice %arg7[%dma_start3A_80] : memref<5120xi32, #tpu.memory_space<vmem>> -> memref<1280xi32, #tpu.memory_space<vmem>>
      %dma_start3A_82 = tpu.memref_slice %arg2[%run_scoped3A_38, %add3A_35] : memref<4x40960xi32, #tpu.memory_space<hbm>> -> memref<1x1280xi32, #tpu.memory_space<hbm>>
      %dma_start3A_83 = tpu.memref_squeeze %dma_start3A_82 : memref<1x1280xi32, #tpu.memory_space<hbm>> -> memref<1280xi32, #tpu.memory_space<hbm>>
      tpu.enqueue_dma source(%dma_start3A_83 : memref<1280xi32, #tpu.memory_space<hbm>>) target(%dma_start3A_81 : memref<1280xi32, #tpu.memory_space<vmem>>) target_semaphore(%run_scoped3A_76 : memref<!tpu.dma_semaphore, #tpu.memory_space<semaphore_mem>>)
      %dma_wait3A = arith.constant 3840 : i32
      %dma_wait3A_84 = tpu.memref_slice %arg7[%dma_wait3A] : memref<5120xi32, #tpu.memory_space<vmem>> -> memref<1280xi32, #tpu.memory_space<vmem>>
      %dma_wait3A_85 = tpu.memref_slice %arg2[%run_scoped3A_38, %add3A_35] : memref<4x40960xi32, #tpu.memory_space<hbm>> -> memref<1x1280xi32, #tpu.memory_space<hbm>>
      %dma_wait3A_86 = tpu.memref_squeeze %dma_wait3A_85 : memref<1x1280xi32, #tpu.memory_space<hbm>> -> memref<1280xi32, #tpu.memory_space<hbm>>
      %dma_wait3A_87 = arith.constant 3840 : i32
      %dma_wait3A_88 = tpu.memref_slice %arg7[%dma_wait3A_87] : memref<5120xi32, #tpu.memory_space<vmem>> -> memref<1280xi32, #tpu.memory_space<vmem>>
      %dma_wait3A_89 = tpu.memref_slice %arg2[%run_scoped3A_38, %add3A_35] : memref<4x40960xi32, #tpu.memory_space<hbm>> -> memref<1x1280xi32, #tpu.memory_space<hbm>>
      %dma_wait3A_90 = tpu.memref_squeeze %dma_wait3A_89 : memref<1x1280xi32, #tpu.memory_space<hbm>> -> memref<1280xi32, #tpu.memory_space<hbm>>
      tpu.wait_dma2 semaphore(%run_scoped3A_76 : memref<!tpu.dma_semaphore, #tpu.memory_space<semaphore_mem>>) src(%dma_wait3A_90 : memref<1280xi32, #tpu.memory_space<hbm>>) dst(%dma_wait3A_88 : memref<1280xi32, #tpu.memory_space<vmem>>)
      tpu.yield
    }) : () -> ()
    "tpu.region"() ({
      %run_scoped3A_76 = tpu.sem_alloc : memref<!tpu.dma_semaphore, #tpu.memory_space<semaphore_mem>>
      %dma_start3A = arith.constant 81920 : i32
      %dma_start3A_77 = tpu.memref_slice %arg9[%dma_start3A] : memref<83200xf32, #tpu.memory_space<vmem>> -> memref<1280xf32, #tpu.memory_space<vmem>>
      %dma_start3A_78 = tpu.memref_slice %arg4[%add3A_35] : memref<40960xf32, #tpu.memory_space<hbm>> -> memref<1280xf32, #tpu.memory_space<hbm>>
      %dma_start3A_79 = arith.constant 81920 : i32
      %dma_start3A_80 = tpu.memref_slice %arg9[%dma_start3A_79] : memref<83200xf32, #tpu.memory_space<vmem>> -> memref<1280xf32, #tpu.memory_space<vmem>>
      %dma_start3A_81 = tpu.memref_slice %arg4[%add3A_35] : memref<40960xf32, #tpu.memory_space<hbm>> -> memref<1280xf32, #tpu.memory_space<hbm>>
      tpu.enqueue_dma source(%dma_start3A_81 : memref<1280xf32, #tpu.memory_space<hbm>>) target(%dma_start3A_80 : memref<1280xf32, #tpu.memory_space<vmem>>) target_semaphore(%run_scoped3A_76 : memref<!tpu.dma_semaphore, #tpu.memory_space<semaphore_mem>>)
      %dma_wait3A = arith.constant 81920 : i32
      %dma_wait3A_82 = tpu.memref_slice %arg9[%dma_wait3A] : memref<83200xf32, #tpu.memory_space<vmem>> -> memref<1280xf32, #tpu.memory_space<vmem>>
      %dma_wait3A_83 = tpu.memref_slice %arg4[%add3A_35] : memref<40960xf32, #tpu.memory_space<hbm>> -> memref<1280xf32, #tpu.memory_space<hbm>>
      %dma_wait3A_84 = arith.constant 81920 : i32
      %dma_wait3A_85 = tpu.memref_slice %arg9[%dma_wait3A_84] : memref<83200xf32, #tpu.memory_space<vmem>> -> memref<1280xf32, #tpu.memory_space<vmem>>
      %dma_wait3A_86 = tpu.memref_slice %arg4[%add3A_35] : memref<40960xf32, #tpu.memory_space<hbm>> -> memref<1280xf32, #tpu.memory_space<hbm>>
      tpu.wait_dma2 semaphore(%run_scoped3A_76 : memref<!tpu.dma_semaphore, #tpu.memory_space<semaphore_mem>>) src(%dma_wait3A_86 : memref<1280xf32, #tpu.memory_space<hbm>>) dst(%dma_wait3A_85 : memref<1280xf32, #tpu.memory_space<vmem>>)
      tpu.yield
    }) : () -> ()
    %scan3A = arith.constant 0 : i32
    %scan3A_39 = arith.constant 0 : i32
    %scan3A_40 = arith.constant 80 : i32
    %scan3A_41 = arith.addi %scan3A_39, %scan3A_40 : i32
    %scan3A_42 = arith.constant 1 : i32
    %scan3A_43 = scf.for %scan3A_76 = %scan3A_39 to %scan3A_41 step %scan3A_42 iter_args(%scan3A_77 = %scan3A) -> (i32)  : i32 {
      %mul3A_78 = arith.constant 16 : i32
      %mul3A_79 = arith.muli %scan3A_76, %mul3A_78 : i32
      %add3A_80 = arith.constant 0 : i32
      %add3A_81 = arith.addi %add3A_80, %mul3A_79 : i32
      %get3A = arith.index_cast %add3A_81 : i32 to index
      %get3A_82 = tpu.vector_load %arg7[%get3A] {strides = array<i32>} : memref<5120xi32, #tpu.memory_space<vmem>>, vector<16xi32>,
      %mul3A_83 = arith.constant 16 : i32
      %mul3A_84 = arith.muli %scan3A_76, %mul3A_83 : i32
      %add3A_85 = arith.constant 1280 : i32
      %add3A_86 = arith.addi %add3A_85, %mul3A_84 : i32
      %get3A_87 = arith.index_cast %add3A_86 : i32 to index
      %get3A_88 = tpu.vector_load %arg7[%get3A_87] {strides = array<i32>} : memref<5120xi32, #tpu.memory_space<vmem>>, vector<16xi32>,
      %mul3A_89 = arith.constant 16 : i32
      %mul3A_90 = arith.muli %scan3A_76, %mul3A_89 : i32
      %add3A_91 = arith.constant 2560 : i32
      %add3A_92 = arith.addi %add3A_91, %mul3A_90 : i32
      %get3A_93 = arith.index_cast %add3A_92 : i32 to index
      %get3A_94 = tpu.vector_load %arg7[%get3A_93] {strides = array<i32>} : memref<5120xi32, #tpu.memory_space<vmem>>, vector<16xi32>,
      %mul3A_95 = arith.constant 512 : i32
      %mul3A_96 = vector.broadcast %mul3A_95 : i32 to vector<16xi32>
      %mul3A_97 = arith.muli %get3A_94, %mul3A_96 : vector<16xi32>
      %add3A_98 = arith.addi %get3A_88, %mul3A_97 : vector<16xi32>
      %mul3A_99 = arith.constant 16 : i32
      %mul3A_100 = arith.muli %scan3A_76, %mul3A_99 : i32
      %add3A_101 = arith.constant 3840 : i32
      %add3A_102 = arith.addi %add3A_101, %mul3A_100 : i32
      %get3A_103 = arith.index_cast %add3A_102 : i32 to index
      %get3A_104 = tpu.vector_load %arg7[%get3A_103] {strides = array<i32>} : memref<5120xi32, #tpu.memory_space<vmem>>, vector<16xi32>,
      %add3A_105 = arith.addi %add3A_98, %get3A_104 : vector<16xi32>
      %eq3A_106 = vector.broadcast %add3A_30 : i32 to vector<16xi32>
      %eq3A_107 = arith.cmpi eq, %get3A_82, %eq3A_106 : vector<16xi32>
      %jit3A_108 = arith.constant 262144 : i32
      %broadcast_in_dim3A = vector.broadcast %jit3A_108 : i32 to vector<16xi32>
      %select_n3A_109 = arith.select %eq3A_107, %add3A_105, %broadcast_in_dim3A : vector<16xi1>, vector<16xi32>
      %jit3A_110 = arith.constant 8 : i32
      %div3A_111 = arith.divsi %scan3A_76, %jit3A_110 : i32
      %sign3A_112 = arith.constant 0 : i32
      %sign3A_113 = arith.cmpi sgt, %scan3A_76, %sign3A_112 : i32
      %sign3A_114 = arith.extui %sign3A_113 : i1 to i32
      %sign3A_115 = arith.constant 0 : i32
      %sign3A_116 = arith.cmpi slt, %scan3A_76, %sign3A_115 : i32
      %sign3A_117 = arith.extui %sign3A_116 : i1 to i32
      %sign3A_118 = arith.subi %sign3A_114, %sign3A_117 : i32
      %sign3A_119 = arith.constant 0 : i32
      %sign3A_120 = arith.cmpi sgt, %jit3A_110, %sign3A_119 : i32
      %sign3A_121 = arith.extui %sign3A_120 : i1 to i32
      %sign3A_122 = arith.constant 0 : i32
      %sign3A_123 = arith.cmpi slt, %jit3A_110, %sign3A_122 : i32
      %sign3A_124 = arith.extui %sign3A_123 : i1 to i32
      %sign3A_125 = arith.subi %sign3A_121, %sign3A_124 : i32
      %ne3A_126 = arith.cmpi ne, %sign3A_118, %sign3A_125 : i32
      %rem3A_127 = arith.remsi %scan3A_76, %jit3A_110 : i32
      %ne3A_128 = arith.constant 0 : i32
      %ne3A_129 = arith.cmpi ne, %rem3A_127, %ne3A_128 : i32
      %and3A_130 = arith.andi %ne3A_126, %ne3A_129 : i1
      %sub3A_131 = arith.constant 1 : i32
      %sub3A_132 = arith.subi %div3A_111, %sub3A_131 : i32
      %select_n3A_133 = arith.select %and3A_130, %sub3A_132, %div3A_111 : i32
      %jit3A_134 = arith.constant 8 : i32
      %eq3A_135 = arith.constant 0 : i32
      %eq3A_136 = arith.cmpi eq, %jit3A_134, %eq3A_135 : i32
      %jit3A_137 = arith.constant 1 : i32
      %select_n3A_138 = arith.select %eq3A_136, %jit3A_137, %jit3A_134 : i32
      %rem3A_139 = arith.remsi %scan3A_76, %select_n3A_138 : i32
      %ne3A_140 = arith.constant 0 : i32
      %ne3A_141 = arith.cmpi ne, %rem3A_139, %ne3A_140 : i32
      %lt3A_142 = arith.constant 0 : i32
      %lt3A_143 = arith.cmpi slt, %rem3A_139, %lt3A_142 : i32
      %lt3A_144 = arith.constant 0 : i32
      %lt3A_145 = arith.cmpi slt, %select_n3A_138, %lt3A_144 : i32
      %ne3A_146 = arith.xori %lt3A_143, %lt3A_145 : i1
      %and3A_147 = arith.andi %ne3A_146, %ne3A_141 : i1
      %add3A_148 = arith.addi %rem3A_139, %select_n3A_138 : i32
      %select_n3A_149 = arith.select %and3A_147, %add3A_148, %rem3A_139 : i32
      %mul3A_150 = arith.constant 16 : i32
      %mul3A_151 = arith.muli %select_n3A_149, %mul3A_150 : i32
      %swap3A = arith.index_cast %select_n3A_133 : i32 to index
      %swap3A_152 = arith.index_cast %mul3A_151 : i32 to index
      %swap3A_153 = tpu.vector_load %arg8[%swap3A, %swap3A_152] {strides = array<i32>} : memref<10x128xi32, #tpu.memory_space<vmem>>, vector<16xi32>,
      tpu.vector_store %arg8[%swap3A, %swap3A_152], %select_n3A_109 {strides = array<i32>} : memref<10x128xi32, #tpu.memory_space<vmem>>, vector<16xi32>,
      %scan3A_154 = arith.constant 0 : i32
      scf.yield %scan3A_154 : i32
    }
    %scan3A_44 = arith.constant 80 : i32
    %scan3A_45 = arith.constant 0 : i32
    %scan3A_46 = arith.constant 0 : i32
    %scan3A_47 = arith.constant 16 : i32
    %scan3A_48 = arith.addi %scan3A_46, %scan3A_47 : i32
    %scan3A_49 = arith.constant 1 : i32
    %scan3A_50 = scf.for %scan3A_76 = %scan3A_46 to %scan3A_48 step %scan3A_49 iter_args(%scan3A_77 = %scan3A_45) -> (i32)  : i32 {
      %mul3A_78 = arith.constant 80 : i32
      %mul3A_79 = arith.muli %scan3A_76, %mul3A_78 : i32
      %add3A_80 = arith.addi %add3A_35, %mul3A_79 : i32
      %mul3A_81 = arith.constant 64 : i32
      %mul3A_82 = arith.muli %add3A_80, %mul3A_81 : i32
      "tpu.region"() ({
        %run_scoped3A_91 = tpu.sem_alloc : memref<!tpu.dma_semaphore, #tpu.memory_space<semaphore_mem>>
        %dma_start3A = tpu.memref_slice %arg3[%mul3A_82] : memref<2621440xf32, #tpu.memory_space<hbm>> -> memref<5120xf32, #tpu.memory_space<hbm>>
        %dma_start3A_92 = tpu.memref_slice %arg3[%mul3A_82] : memref<2621440xf32, #tpu.memory_space<hbm>> -> memref<5120xf32, #tpu.memory_space<hbm>>
        tpu.enqueue_dma source(%dma_start3A_92 : memref<5120xf32, #tpu.memory_space<hbm>>) target(%arg10 : memref<5120xf32, #tpu.memory_space<vmem>>) target_semaphore(%run_scoped3A_91 : memref<!tpu.dma_semaphore, #tpu.memory_space<semaphore_mem>>)
        %dma_wait3A = tpu.memref_slice %arg3[%mul3A_82] : memref<2621440xf32, #tpu.memory_space<hbm>> -> memref<5120xf32, #tpu.memory_space<hbm>>
        %dma_wait3A_93 = tpu.memref_slice %arg3[%mul3A_82] : memref<2621440xf32, #tpu.memory_space<hbm>> -> memref<5120xf32, #tpu.memory_space<hbm>>
        tpu.wait_dma2 semaphore(%run_scoped3A_91 : memref<!tpu.dma_semaphore, #tpu.memory_space<semaphore_mem>>) src(%dma_wait3A_93 : memref<5120xf32, #tpu.memory_space<hbm>>) dst(%arg10 : memref<5120xf32, #tpu.memory_space<vmem>>)
        tpu.yield
      }) : () -> ()
      %scan3A_83 = arith.constant 0 : i32
      %scan3A_84 = arith.constant 0 : i32
      %scan3A_85 = arith.constant 320 : i32
      %scan3A_86 = arith.addi %scan3A_84, %scan3A_85 : i32
      %scan3A_87 = arith.constant 1 : i32
      %scan3A_88 = scf.for %scan3A_91 = %scan3A_84 to %scan3A_86 step %scan3A_87 iter_args(%scan3A_92 = %scan3A_83) -> (i32)  : i32 {
        %mul3A_93 = arith.constant 16 : i32
        %mul3A_94 = arith.muli %scan3A_91, %mul3A_93 : i32
        %get3A = arith.index_cast %mul3A_94 : i32 to index
        %get3A_95 = tpu.vector_load %arg10[%get3A] {strides = array<i32>} : memref<5120xf32, #tpu.memory_space<vmem>>, vector<16xf32>,
        %mul3A_96 = arith.constant 80 : i32
        %mul3A_97 = arith.muli %scan3A_76, %mul3A_96 : i32
        %jit3A_98 = arith.constant 4 : i32
        %div3A_99 = arith.divsi %scan3A_91, %jit3A_98 : i32
        %sign3A_100 = arith.constant 0 : i32
        %sign3A_101 = arith.cmpi sgt, %scan3A_91, %sign3A_100 : i32
        %sign3A_102 = arith.extui %sign3A_101 : i1 to i32
        %sign3A_103 = arith.constant 0 : i32
        %sign3A_104 = arith.cmpi slt, %scan3A_91, %sign3A_103 : i32
        %sign3A_105 = arith.extui %sign3A_104 : i1 to i32
        %sign3A_106 = arith.subi %sign3A_102, %sign3A_105 : i32
        %sign3A_107 = arith.constant 0 : i32
        %sign3A_108 = arith.cmpi sgt, %jit3A_98, %sign3A_107 : i32
        %sign3A_109 = arith.extui %sign3A_108 : i1 to i32
        %sign3A_110 = arith.constant 0 : i32
        %sign3A_111 = arith.cmpi slt, %jit3A_98, %sign3A_110 : i32
        %sign3A_112 = arith.extui %sign3A_111 : i1 to i32
        %sign3A_113 = arith.subi %sign3A_109, %sign3A_112 : i32
        %ne3A_114 = arith.cmpi ne, %sign3A_106, %sign3A_113 : i32
        %rem3A_115 = arith.remsi %scan3A_91, %jit3A_98 : i32
        %ne3A_116 = arith.constant 0 : i32
        %ne3A_117 = arith.cmpi ne, %rem3A_115, %ne3A_116 : i32
        %and3A_118 = arith.andi %ne3A_114, %ne3A_117 : i1
        %sub3A_119 = arith.constant 1 : i32
        %sub3A_120 = arith.subi %div3A_99, %sub3A_119 : i32
        %select_n3A_121 = arith.select %and3A_118, %sub3A_120, %div3A_99 : i32
        %add3A_122 = arith.addi %mul3A_97, %select_n3A_121 : i32
        %iota3A = tpu.iota {dimensions = array<i32: 0>} : vector<16xi32>
        %jit3A_123 = arith.constant 4 : i32
        %eq3A_124 = arith.constant 0 : i32
        %eq3A_125 = arith.cmpi eq, %jit3A_123, %eq3A_124 : i32
        %jit3A_126 = arith.constant 1 : i32
        %select_n3A_127 = arith.select %eq3A_125, %jit3A_126, %jit3A_123 : i32
        %rem3A_128 = arith.remsi %scan3A_91, %select_n3A_127 : i32
        %ne3A_129 = arith.constant 0 : i32
        %ne3A_130 = arith.cmpi ne, %rem3A_128, %ne3A_129 : i32
        %lt3A_131 = arith.constant 0 : i32
        %lt3A_132 = arith.cmpi slt, %rem3A_128, %lt3A_131 : i32
        %lt3A_133 = arith.constant 0 : i32
        %lt3A_134 = arith.cmpi slt, %select_n3A_127, %lt3A_133 : i32
        %ne3A_135 = arith.xori %lt3A_132, %lt3A_134 : i1
        %and3A_136 = arith.andi %ne3A_135, %ne3A_130 : i1
        %add3A_137 = arith.addi %rem3A_128, %select_n3A_127 : i32
        %select_n3A_138 = arith.select %and3A_136, %add3A_137, %rem3A_128 : i32
        %mul3A_139 = arith.constant 16 : i32
        %mul3A_140 = arith.muli %select_n3A_138, %mul3A_139 : i32
        %add3A_141 = vector.broadcast %mul3A_140 : i32 to vector<16xi32>
        %add3A_142 = arith.addi %iota3A, %add3A_141 : vector<16xi32>
        %mul3A_143 = arith.constant 1280 : i32
        %mul3A_144 = vector.broadcast %mul3A_143 : i32 to vector<16xi32>
        %mul3A_145 = arith.muli %add3A_142, %mul3A_144 : vector<16xi32>
        %add3A_146 = vector.broadcast %add3A_122 : i32 to vector<16xi32>
        %add3A_147 = arith.addi %mul3A_145, %add3A_146 : vector<16xi32>
        tpu.vector_store_idx %arg9[%add3A_147], %get3A_95 : memref<83200xf32, #tpu.memory_space<vmem>>[vector<16xi32>], vector<16xf32>,
        %scan3A_148 = arith.constant 0 : i32
        scf.yield %scan3A_148 : i32
      }
      %scan3A_89 = arith.constant 320 : i32
      %scan3A_90 = arith.constant 0 : i32
      scf.yield %scan3A_90 : i32
    }
    %scan3A_51 = arith.constant 16 : i32
    %scan3A_52 = arith.constant 0 : i32
    %scan3A_53 = arith.constant 0 : i32
    %scan3A_54 = arith.constant 128 : i32
    %scan3A_55 = arith.addi %scan3A_53, %scan3A_54 : i32
    %scan3A_56 = arith.constant 1 : i32
    %scan3A_57 = scf.for %scan3A_76 = %scan3A_53 to %scan3A_55 step %scan3A_56 iter_args(%scan3A_77 = %scan3A_52) -> (i32)  : i32 {
      %broadcast_in_dim3A = arith.constant 0.000000e+00 : f32
      %broadcast_in_dim3A_78 = vector.broadcast %broadcast_in_dim3A : f32 to vector<16xf32>
      %mul3A_79 = arith.constant 16 : i32
      %mul3A_80 = arith.muli %scan3A_76, %mul3A_79 : i32
      %swap3A = arith.index_cast %mul3A_80 : i32 to index
      %swap3A_81 = tpu.vector_load %arg11[%swap3A] {strides = array<i32>} : memref<2048xf32, #tpu.memory_space<vmem>>, vector<16xf32>,
      tpu.vector_store %arg11[%swap3A], %broadcast_in_dim3A_78 {strides = array<i32>} : memref<2048xf32, #tpu.memory_space<vmem>>, vector<16xf32>,
      %scan3A_82 = arith.constant 0 : i32
      scf.yield %scan3A_82 : i32
    }
    %scan3A_58 = arith.constant 128 : i32
    %mul3A_59 = arith.constant 32768 : i32
    %mul3A_60 = arith.muli %select_n3A_28, %mul3A_59 : i32
    %scan3A_61 = arith.constant 0 : i32
    %scan3A_62 = arith.constant 0 : i32
    %scan3A_63 = arith.constant 65 : i32
    %scan3A_64 = arith.addi %scan3A_62, %scan3A_63 : i32
    %scan3A_65 = arith.constant 1 : i32
    %scan3A_66 = scf.for %scan3A_76 = %scan3A_62 to %scan3A_64 step %scan3A_65 iter_args(%scan3A_77 = %scan3A_61) -> (i32)  : i32 {
      %ge3A = arith.constant 1 : i32
      %ge3A_78 = arith.cmpi sge, %scan3A_76, %ge3A : i32
      %convert_element_type3A_79 = arith.extui %ge3A_78 : i1 to i32
      %cond3A_80 = arith.constant 0 : i32
      %cond3A_81 = arith.cmpi ne, %convert_element_type3A_79, %cond3A_80 : i32
      scf.if %cond3A_81 {
        %eq3A_114 = arith.constant 0 : i32
        %eq3A_115 = arith.cmpi eq, %select_n3A, %eq3A_114 : i32
        %convert_element_type3A_116 = arith.extui %eq3A_115 : i1 to i32
        %cond3A_117 = arith.constant 0 : i32
        %cond3A_118 = arith.cmpi ne, %convert_element_type3A_116, %cond3A_117 : i32
        scf.if %cond3A_118 {
          %mul3A_124 = arith.constant 32768 : i32
          %mul3A_125 = arith.muli %select_n3A_28, %mul3A_124 : i32
          %dma_wait3A = tpu.memref_slice %arg5[%mul3A_125] : memref<67108864xf32, #tpu.memory_space<hbm>> -> memref<32768xf32, #tpu.memory_space<hbm>>
          %dma_wait3A_126 = tpu.memref_slice %arg12[%mul3A_60] : memref<262152xf32, #tpu.memory_space<vmem_shared>> -> memref<32768xf32, #tpu.memory_space<vmem_shared>>
          tpu.wait_dma2 semaphore(%arg14 : memref<!tpu.dma_semaphore, #tpu.memory_space<semaphore_mem>>) src(%dma_wait3A_126 : memref<32768xf32, #tpu.memory_space<vmem_shared>>) dst(%dma_wait3A : memref<32768xf32, #tpu.memory_space<hbm>>)
        } else {
        }
        %eq3A_119 = arith.constant 1 : i32
        %eq3A_120 = arith.cmpi eq, %select_n3A, %eq3A_119 : i32
        %convert_element_type3A_121 = arith.extui %eq3A_120 : i1 to i32
        %cond3A_122 = arith.constant 0 : i32
        %cond3A_123 = arith.cmpi ne, %convert_element_type3A_121, %cond3A_122 : i32
        scf.if %cond3A_123 {
          %mul3A_124 = arith.constant 32768 : i32
          %mul3A_125 = arith.muli %select_n3A_28, %mul3A_124 : i32
          %dma_wait3A = tpu.memref_slice %arg5[%mul3A_125] : memref<67108864xf32, #tpu.memory_space<hbm>> -> memref<32768xf32, #tpu.memory_space<hbm>>
          %dma_wait3A_126 = tpu.memref_slice %arg13[%mul3A_60] : memref<262152xf32, #tpu.memory_space<vmem_shared>> -> memref<32768xf32, #tpu.memory_space<vmem_shared>>
          tpu.wait_dma2 semaphore(%arg14 : memref<!tpu.dma_semaphore, #tpu.memory_space<semaphore_mem>>) src(%dma_wait3A_126 : memref<32768xf32, #tpu.memory_space<vmem_shared>>) dst(%dma_wait3A : memref<32768xf32, #tpu.memory_space<hbm>>)
        } else {
        }
      } else {
      }
      %eq3A_82 = arith.constant 0 : i32
      %eq3A_83 = arith.cmpi eq, %select_n3A, %eq3A_82 : i32
      %convert_element_type3A_84 = arith.extui %eq3A_83 : i1 to i32
      %cond3A_85 = arith.constant 0 : i32
      %cond3A_86 = arith.cmpi ne, %convert_element_type3A_84, %cond3A_85 : i32
      scf.if %cond3A_86 {
        %mul3A_114 = arith.constant 32768 : i32
        %mul3A_115 = arith.muli %select_n3A_28, %mul3A_114 : i32
        %add3A_116 = arith.constant 0 : i32
        %add3A_117 = arith.addi %mul3A_115, %add3A_116 : i32
        "tpu.region"() ({
          %run_scoped3A_178 = tpu.sem_alloc : memref<!tpu.dma_semaphore, #tpu.memory_space<semaphore_mem>>
          %dma_start3A = tpu.memref_slice %arg12[%add3A_117] : memref<262152xf32, #tpu.memory_space<vmem_shared>> -> memref<2048xf32, #tpu.memory_space<vmem_shared>>
          %dma_start3A_179 = tpu.memref_slice %arg12[%add3A_117] : memref<262152xf32, #tpu.memory_space<vmem_shared>> -> memref<2048xf32, #tpu.memory_space<vmem_shared>>
          tpu.enqueue_dma source(%arg11 : memref<2048xf32, #tpu.memory_space<vmem>>) target(%dma_start3A_179 : memref<2048xf32, #tpu.memory_space<vmem_shared>>) target_semaphore(%run_scoped3A_178 : memref<!tpu.dma_semaphore, #tpu.memory_space<semaphore_mem>>)
          %dma_wait3A = tpu.memref_slice %arg12[%add3A_117] : memref<262152xf32, #tpu.memory_space<vmem_shared>> -> memref<2048xf32, #tpu.memory_space<vmem_shared>>
          %dma_wait3A_180 = tpu.memref_slice %arg12[%add3A_117] : memref<262152xf32, #tpu.memory_space<vmem_shared>> -> memref<2048xf32, #tpu.memory_space<vmem_shared>>
          tpu.wait_dma2 semaphore(%run_scoped3A_178 : memref<!tpu.dma_semaphore, #tpu.memory_space<semaphore_mem>>) src(%arg11 : memref<2048xf32, #tpu.memory_space<vmem>>) dst(%dma_wait3A_180 : memref<2048xf32, #tpu.memory_space<vmem_shared>>)
          tpu.yield
        }) : () -> ()
        %mul3A_118 = arith.constant 32768 : i32
        %mul3A_119 = arith.muli %select_n3A_28, %mul3A_118 : i32
        %add3A_120 = arith.constant 2048 : i32
        %add3A_121 = arith.addi %mul3A_119, %add3A_120 : i32
        "tpu.region"() ({
          %run_scoped3A_178 = tpu.sem_alloc : memref<!tpu.dma_semaphore, #tpu.memory_space<semaphore_mem>>
          %dma_start3A = tpu.memref_slice %arg12[%add3A_121] : memref<262152xf32, #tpu.memory_space<vmem_shared>> -> memref<2048xf32, #tpu.memory_space<vmem_shared>>
          %dma_start3A_179 = tpu.memref_slice %arg12[%add3A_121] : memref<262152xf32, #tpu.memory_space<vmem_shared>> -> memref<2048xf32, #tpu.memory_space<vmem_shared>>
          tpu.enqueue_dma source(%arg11 : memref<2048xf32, #tpu.memory_space<vmem>>) target(%dma_start3A_179 : memref<2048xf32, #tpu.memory_space<vmem_shared>>) target_semaphore(%run_scoped3A_178 : memref<!tpu.dma_semaphore, #tpu.memory_space<semaphore_mem>>)
          %dma_wait3A = tpu.memref_slice %arg12[%add3A_121] : memref<262152xf32, #tpu.memory_space<vmem_shared>> -> memref<2048xf32, #tpu.memory_space<vmem_shared>>
          %dma_wait3A_180 = tpu.memref_slice %arg12[%add3A_121] : memref<262152xf32, #tpu.memory_space<vmem_shared>> -> memref<2048xf32, #tpu.memory_space<vmem_shared>>
          tpu.wait_dma2 semaphore(%run_scoped3A_178 : memref<!tpu.dma_semaphore, #tpu.memory_space<semaphore_mem>>) src(%arg11 : memref<2048xf32, #tpu.memory_space<vmem>>) dst(%dma_wait3A_180 : memref<2048xf32, #tpu.memory_space<vmem_shared>>)
          tpu.yield
        }) : () -> ()
        %mul3A_122 = arith.constant 32768 : i32
        %mul3A_123 = arith.muli %select_n3A_28, %mul3A_122 : i32
        %add3A_124 = arith.constant 4096 : i32
        %add3A_125 = arith.addi %mul3A_123, %add3A_124 : i32
        "tpu.region"() ({
          %run_scoped3A_178 = tpu.sem_alloc : memref<!tpu.dma_semaphore, #tpu.memory_space<semaphore_mem>>
          %dma_start3A = tpu.memref_slice %arg12[%add3A_125] : memref<262152xf32, #tpu.memory_space<vmem_shared>> -> memref<2048xf32, #tpu.memory_space<vmem_shared>>
          %dma_start3A_179 = tpu.memref_slice %arg12[%add3A_125] : memref<262152xf32, #tpu.memory_space<vmem_shared>> -> memref<2048xf32, #tpu.memory_space<vmem_shared>>
          tpu.enqueue_dma source(%arg11 : memref<2048xf32, #tpu.memory_space<vmem>>) target(%dma_start3A_179 : memref<2048xf32, #tpu.memory_space<vmem_shared>>) target_semaphore(%run_scoped3A_178 : memref<!tpu.dma_semaphore, #tpu.memory_space<semaphore_mem>>)
          %dma_wait3A = tpu.memref_slice %arg12[%add3A_125] : memref<262152xf32, #tpu.memory_space<vmem_shared>> -> memref<2048xf32, #tpu.memory_space<vmem_shared>>
          %dma_wait3A_180 = tpu.memref_slice %arg12[%add3A_125] : memref<262152xf32, #tpu.memory_space<vmem_shared>> -> memref<2048xf32, #tpu.memory_space<vmem_shared>>
          tpu.wait_dma2 semaphore(%run_scoped3A_178 : memref<!tpu.dma_semaphore, #tpu.memory_space<semaphore_mem>>) src(%arg11 : memref<2048xf32, #tpu.memory_space<vmem>>) dst(%dma_wait3A_180 : memref<2048xf32, #tpu.memory_space<vmem_shared>>)
          tpu.yield
        }) : () -> ()
        %mul3A_126 = arith.constant 32768 : i32
        %mul3A_127 = arith.muli %select_n3A_28, %mul3A_126 : i32
        %add3A_128 = arith.constant 6144 : i32
        %add3A_129 = arith.addi %mul3A_127, %add3A_128 : i32
        "tpu.region"() ({
          %run_scoped3A_178 = tpu.sem_alloc : memref<!tpu.dma_semaphore, #tpu.memory_space<semaphore_mem>>
          %dma_start3A = tpu.memref_slice %arg12[%add3A_129] : memref<262152xf32, #tpu.memory_space<vmem_shared>> -> memref<2048xf32, #tpu.memory_space<vmem_shared>>
          %dma_start3A_179 = tpu.memref_slice %arg12[%add3A_129] : memref<262152xf32, #tpu.memory_space<vmem_shared>> -> memref<2048xf32, #tpu.memory_space<vmem_shared>>
          tpu.enqueue_dma source(%arg11 : memref<2048xf32, #tpu.memory_space<vmem>>) target(%dma_start3A_179 : memref<2048xf32, #tpu.memory_space<vmem_shared>>) target_semaphore(%run_scoped3A_178 : memref<!tpu.dma_semaphore, #tpu.memory_space<semaphore_mem>>)
          %dma_wait3A = tpu.memref_slice %arg12[%add3A_129] : memref<262152xf32, #tpu.memory_space<vmem_shared>> -> memref<2048xf32, #tpu.memory_space<vmem_shared>>
          %dma_wait3A_180 = tpu.memref_slice %arg12[%add3A_129] : memref<262152xf32, #tpu.memory_space<vmem_shared>> -> memref<2048xf32, #tpu.memory_space<vmem_shared>>
          tpu.wait_dma2 semaphore(%run_scoped3A_178 : memref<!tpu.dma_semaphore, #tpu.memory_space<semaphore_mem>>) src(%arg11 : memref<2048xf32, #tpu.memory_space<vmem>>) dst(%dma_wait3A_180 : memref<2048xf32, #tpu.memory_space<vmem_shared>>)
          tpu.yield
        }) : () -> ()
        %mul3A_130 = arith.constant 32768 : i32
        %mul3A_131 = arith.muli %select_n3A_28, %mul3A_130 : i32
        %add3A_132 = arith.constant 8192 : i32
        %add3A_133 = arith.addi %mul3A_131, %add3A_132 : i32
        "tpu.region"() ({
          %run_scoped3A_178 = tpu.sem_alloc : memref<!tpu.dma_semaphore, #tpu.memory_space<semaphore_mem>>
          %dma_start3A = tpu.memref_slice %arg12[%add3A_133] : memref<262152xf32, #tpu.memory_space<vmem_shared>> -> memref<2048xf32, #tpu.memory_space<vmem_shared>>
          %dma_start3A_179 = tpu.memref_slice %arg12[%add3A_133] : memref<262152xf32, #tpu.memory_space<vmem_shared>> -> memref<2048xf32, #tpu.memory_space<vmem_shared>>
          tpu.enqueue_dma source(%arg11 : memref<2048xf32, #tpu.memory_space<vmem>>) target(%dma_start3A_179 : memref<2048xf32, #tpu.memory_space<vmem_shared>>) target_semaphore(%run_scoped3A_178 : memref<!tpu.dma_semaphore, #tpu.memory_space<semaphore_mem>>)
          %dma_wait3A = tpu.memref_slice %arg12[%add3A_133] : memref<262152xf32, #tpu.memory_space<vmem_shared>> -> memref<2048xf32, #tpu.memory_space<vmem_shared>>
          %dma_wait3A_180 = tpu.memref_slice %arg12[%add3A_133] : memref<262152xf32, #tpu.memory_space<vmem_shared>> -> memref<2048xf32, #tpu.memory_space<vmem_shared>>
          tpu.wait_dma2 semaphore(%run_scoped3A_178 : memref<!tpu.dma_semaphore, #tpu.memory_space<semaphore_mem>>) src(%arg11 : memref<2048xf32, #tpu.memory_space<vmem>>) dst(%dma_wait3A_180 : memref<2048xf32, #tpu.memory_space<vmem_shared>>)
          tpu.yield
        }) : () -> ()
        %mul3A_134 = arith.constant 32768 : i32
        %mul3A_135 = arith.muli %select_n3A_28, %mul3A_134 : i32
        %add3A_136 = arith.constant 10240 : i32
        %add3A_137 = arith.addi %mul3A_135, %add3A_136 : i32
        "tpu.region"() ({
          %run_scoped3A_178 = tpu.sem_alloc : memref<!tpu.dma_semaphore, #tpu.memory_space<semaphore_mem>>
          %dma_start3A = tpu.memref_slice %arg12[%add3A_137] : memref<262152xf32, #tpu.memory_space<vmem_shared>> -> memref<2048xf32, #tpu.memory_space<vmem_shared>>
          %dma_start3A_179 = tpu.memref_slice %arg12[%add3A_137] : memref<262152xf32, #tpu.memory_space<vmem_shared>> -> memref<2048xf32, #tpu.memory_space<vmem_shared>>
          tpu.enqueue_dma source(%arg11 : memref<2048xf32, #tpu.memory_space<vmem>>) target(%dma_start3A_179 : memref<2048xf32, #tpu.memory_space<vmem_shared>>) target_semaphore(%run_scoped3A_178 : memref<!tpu.dma_semaphore, #tpu.memory_space<semaphore_mem>>)
          %dma_wait3A = tpu.memref_slice %arg12[%add3A_137] : memref<262152xf32, #tpu.memory_space<vmem_shared>> -> memref<2048xf32, #tpu.memory_space<vmem_shared>>
          %dma_wait3A_180 = tpu.memref_slice %arg12[%add3A_137] : memref<262152xf32, #tpu.memory_space<vmem_shared>> -> memref<2048xf32, #tpu.memory_space<vmem_shared>>
          tpu.wait_dma2 semaphore(%run_scoped3A_178 : memref<!tpu.dma_semaphore, #tpu.memory_space<semaphore_mem>>) src(%arg11 : memref<2048xf32, #tpu.memory_space<vmem>>) dst(%dma_wait3A_180 : memref<2048xf32, #tpu.memory_space<vmem_shared>>)
          tpu.yield
        }) : () -> ()
        %mul3A_138 = arith.constant 32768 : i32
        %mul3A_139 = arith.muli %select_n3A_28, %mul3A_138 : i32
        %add3A_140 = arith.constant 12288 : i32
        %add3A_141 = arith.addi %mul3A_139, %add3A_140 : i32
        "tpu.region"() ({
          %run_scoped3A_178 = tpu.sem_alloc : memref<!tpu.dma_semaphore, #tpu.memory_space<semaphore_mem>>
          %dma_start3A = tpu.memref_slice %arg12[%add3A_141] : memref<262152xf32, #tpu.memory_space<vmem_shared>> -> memref<2048xf32, #tpu.memory_space<vmem_shared>>
          %dma_start3A_179 = tpu.memref_slice %arg12[%add3A_141] : memref<262152xf32, #tpu.memory_space<vmem_shared>> -> memref<2048xf32, #tpu.memory_space<vmem_shared>>
          tpu.enqueue_dma source(%arg11 : memref<2048xf32, #tpu.memory_space<vmem>>) target(%dma_start3A_179 : memref<2048xf32, #tpu.memory_space<vmem_shared>>) target_semaphore(%run_scoped3A_178 : memref<!tpu.dma_semaphore, #tpu.memory_space<semaphore_mem>>)
          %dma_wait3A = tpu.memref_slice %arg12[%add3A_141] : memref<262152xf32, #tpu.memory_space<vmem_shared>> -> memref<2048xf32, #tpu.memory_space<vmem_shared>>
          %dma_wait3A_180 = tpu.memref_slice %arg12[%add3A_141] : memref<262152xf32, #tpu.memory_space<vmem_shared>> -> memref<2048xf32, #tpu.memory_space<vmem_shared>>
          tpu.wait_dma2 semaphore(%run_scoped3A_178 : memref<!tpu.dma_semaphore, #tpu.memory_space<semaphore_mem>>) src(%arg11 : memref<2048xf32, #tpu.memory_space<vmem>>) dst(%dma_wait3A_180 : memref<2048xf32, #tpu.memory_space<vmem_shared>>)
          tpu.yield
        }) : () -> ()
        %mul3A_142 = arith.constant 32768 : i32
        %mul3A_143 = arith.muli %select_n3A_28, %mul3A_142 : i32
        %add3A_144 = arith.constant 14336 : i32
        %add3A_145 = arith.addi %mul3A_143, %add3A_144 : i32
        "tpu.region"() ({
          %run_scoped3A_178 = tpu.sem_alloc : memref<!tpu.dma_semaphore, #tpu.memory_space<semaphore_mem>>
          %dma_start3A = tpu.memref_slice %arg12[%add3A_145] : memref<262152xf32, #tpu.memory_space<vmem_shared>> -> memref<2048xf32, #tpu.memory_space<vmem_shared>>
          %dma_start3A_179 = tpu.memref_slice %arg12[%add3A_145] : memref<262152xf32, #tpu.memory_space<vmem_shared>> -> memref<2048xf32, #tpu.memory_space<vmem_shared>>
          tpu.enqueue_dma source(%arg11 : memref<2048xf32, #tpu.memory_space<vmem>>) target(%dma_start3A_179 : memref<2048xf32, #tpu.memory_space<vmem_shared>>) target_semaphore(%run_scoped3A_178 : memref<!tpu.dma_semaphore, #tpu.memory_space<semaphore_mem>>)
          %dma_wait3A = tpu.memref_slice %arg12[%add3A_145] : memref<262152xf32, #tpu.memory_space<vmem_shared>> -> memref<2048xf32, #tpu.memory_space<vmem_shared>>
          %dma_wait3A_180 = tpu.memref_slice %arg12[%add3A_145] : memref<262152xf32, #tpu.memory_space<vmem_shared>> -> memref<2048xf32, #tpu.memory_space<vmem_shared>>
          tpu.wait_dma2 semaphore(%run_scoped3A_178 : memref<!tpu.dma_semaphore, #tpu.memory_space<semaphore_mem>>) src(%arg11 : memref<2048xf32, #tpu.memory_space<vmem>>) dst(%dma_wait3A_180 : memref<2048xf32, #tpu.memory_space<vmem_shared>>)
          tpu.yield
        }) : () -> ()
        %mul3A_146 = arith.constant 32768 : i32
        %mul3A_147 = arith.muli %select_n3A_28, %mul3A_146 : i32
        %add3A_148 = arith.constant 16384 : i32
        %add3A_149 = arith.addi %mul3A_147, %add3A_148 : i32
        "tpu.region"() ({
          %run_scoped3A_178 = tpu.sem_alloc : memref<!tpu.dma_semaphore, #tpu.memory_space<semaphore_mem>>
          %dma_start3A = tpu.memref_slice %arg12[%add3A_149] : memref<262152xf32, #tpu.memory_space<vmem_shared>> -> memref<2048xf32, #tpu.memory_space<vmem_shared>>
          %dma_start3A_179 = tpu.memref_slice %arg12[%add3A_149] : memref<262152xf32, #tpu.memory_space<vmem_shared>> -> memref<2048xf32, #tpu.memory_space<vmem_shared>>
          tpu.enqueue_dma source(%arg11 : memref<2048xf32, #tpu.memory_space<vmem>>) target(%dma_start3A_179 : memref<2048xf32, #tpu.memory_space<vmem_shared>>) target_semaphore(%run_scoped3A_178 : memref<!tpu.dma_semaphore, #tpu.memory_space<semaphore_mem>>)
          %dma_wait3A = tpu.memref_slice %arg12[%add3A_149] : memref<262152xf32, #tpu.memory_space<vmem_shared>> -> memref<2048xf32, #tpu.memory_space<vmem_shared>>
          %dma_wait3A_180 = tpu.memref_slice %arg12[%add3A_149] : memref<262152xf32, #tpu.memory_space<vmem_shared>> -> memref<2048xf32, #tpu.memory_space<vmem_shared>>
          tpu.wait_dma2 semaphore(%run_scoped3A_178 : memref<!tpu.dma_semaphore, #tpu.memory_space<semaphore_mem>>) src(%arg11 : memref<2048xf32, #tpu.memory_space<vmem>>) dst(%dma_wait3A_180 : memref<2048xf32, #tpu.memory_space<vmem_shared>>)
          tpu.yield
        }) : () -> ()
        %mul3A_150 = arith.constant 32768 : i32
        %mul3A_151 = arith.muli %select_n3A_28, %mul3A_150 : i32
        %add3A_152 = arith.constant 18432 : i32
        %add3A_153 = arith.addi %mul3A_151, %add3A_152 : i32
        "tpu.region"() ({
          %run_scoped3A_178 = tpu.sem_alloc : memref<!tpu.dma_semaphore, #tpu.memory_space<semaphore_mem>>
          %dma_start3A = tpu.memref_slice %arg12[%add3A_153] : memref<262152xf32, #tpu.memory_space<vmem_shared>> -> memref<2048xf32, #tpu.memory_space<vmem_shared>>
          %dma_start3A_179 = tpu.memref_slice %arg12[%add3A_153] : memref<262152xf32, #tpu.memory_space<vmem_shared>> -> memref<2048xf32, #tpu.memory_space<vmem_shared>>
          tpu.enqueue_dma source(%arg11 : memref<2048xf32, #tpu.memory_space<vmem>>) target(%dma_start3A_179 : memref<2048xf32, #tpu.memory_space<vmem_shared>>) target_semaphore(%run_scoped3A_178 : memref<!tpu.dma_semaphore, #tpu.memory_space<semaphore_mem>>)
          %dma_wait3A = tpu.memref_slice %arg12[%add3A_153] : memref<262152xf32, #tpu.memory_space<vmem_shared>> -> memref<2048xf32, #tpu.memory_space<vmem_shared>>
          %dma_wait3A_180 = tpu.memref_slice %arg12[%add3A_153] : memref<262152xf32, #tpu.memory_space<vmem_shared>> -> memref<2048xf32, #tpu.memory_space<vmem_shared>>
          tpu.wait_dma2 semaphore(%run_scoped3A_178 : memref<!tpu.dma_semaphore, #tpu.memory_space<semaphore_mem>>) src(%arg11 : memref<2048xf32, #tpu.memory_space<vmem>>) dst(%dma_wait3A_180 : memref<2048xf32, #tpu.memory_space<vmem_shared>>)
          tpu.yield
        }) : () -> ()
        %mul3A_154 = arith.constant 32768 : i32
        %mul3A_155 = arith.muli %select_n3A_28, %mul3A_154 : i32
        %add3A_156 = arith.constant 20480 : i32
        %add3A_157 = arith.addi %mul3A_155, %add3A_156 : i32
        "tpu.region"() ({
          %run_scoped3A_178 = tpu.sem_alloc : memref<!tpu.dma_semaphore, #tpu.memory_space<semaphore_mem>>
          %dma_start3A = tpu.memref_slice %arg12[%add3A_157] : memref<262152xf32, #tpu.memory_space<vmem_shared>> -> memref<2048xf32, #tpu.memory_space<vmem_shared>>
          %dma_start3A_179 = tpu.memref_slice %arg12[%add3A_157] : memref<262152xf32, #tpu.memory_space<vmem_shared>> -> memref<2048xf32, #tpu.memory_space<vmem_shared>>
          tpu.enqueue_dma source(%arg11 : memref<2048xf32, #tpu.memory_space<vmem>>) target(%dma_start3A_179 : memref<2048xf32, #tpu.memory_space<vmem_shared>>) target_semaphore(%run_scoped3A_178 : memref<!tpu.dma_semaphore, #tpu.memory_space<semaphore_mem>>)
          %dma_wait3A = tpu.memref_slice %arg12[%add3A_157] : memref<262152xf32, #tpu.memory_space<vmem_shared>> -> memref<2048xf32, #tpu.memory_space<vmem_shared>>
          %dma_wait3A_180 = tpu.memref_slice %arg12[%add3A_157] : memref<262152xf32, #tpu.memory_space<vmem_shared>> -> memref<2048xf32, #tpu.memory_space<vmem_shared>>
          tpu.wait_dma2 semaphore(%run_scoped3A_178 : memref<!tpu.dma_semaphore, #tpu.memory_space<semaphore_mem>>) src(%arg11 : memref<2048xf32, #tpu.memory_space<vmem>>) dst(%dma_wait3A_180 : memref<2048xf32, #tpu.memory_space<vmem_shared>>)
          tpu.yield
        }) : () -> ()
        %mul3A_158 = arith.constant 32768 : i32
        %mul3A_159 = arith.muli %select_n3A_28, %mul3A_158 : i32
        %add3A_160 = arith.constant 22528 : i32
        %add3A_161 = arith.addi %mul3A_159, %add3A_160 : i32
        "tpu.region"() ({
          %run_scoped3A_178 = tpu.sem_alloc : memref<!tpu.dma_semaphore, #tpu.memory_space<semaphore_mem>>
          %dma_start3A = tpu.memref_slice %arg12[%add3A_161] : memref<262152xf32, #tpu.memory_space<vmem_shared>> -> memref<2048xf32, #tpu.memory_space<vmem_shared>>
          %dma_start3A_179 = tpu.memref_slice %arg12[%add3A_161] : memref<262152xf32, #tpu.memory_space<vmem_shared>> -> memref<2048xf32, #tpu.memory_space<vmem_shared>>
          tpu.enqueue_dma source(%arg11 : memref<2048xf32, #tpu.memory_space<vmem>>) target(%dma_start3A_179 : memref<2048xf32, #tpu.memory_space<vmem_shared>>) target_semaphore(%run_scoped3A_178 : memref<!tpu.dma_semaphore, #tpu.memory_space<semaphore_mem>>)
          %dma_wait3A = tpu.memref_slice %arg12[%add3A_161] : memref<262152xf32, #tpu.memory_space<vmem_shared>> -> memref<2048xf32, #tpu.memory_space<vmem_shared>>
          %dma_wait3A_180 = tpu.memref_slice %arg12[%add3A_161] : memref<262152xf32, #tpu.memory_space<vmem_shared>> -> memref<2048xf32, #tpu.memory_space<vmem_shared>>
          tpu.wait_dma2 semaphore(%run_scoped3A_178 : memref<!tpu.dma_semaphore, #tpu.memory_space<semaphore_mem>>) src(%arg11 : memref<2048xf32, #tpu.memory_space<vmem>>) dst(%dma_wait3A_180 : memref<2048xf32, #tpu.memory_space<vmem_shared>>)
          tpu.yield
        }) : () -> ()
        %mul3A_162 = arith.constant 32768 : i32
        %mul3A_163 = arith.muli %select_n3A_28, %mul3A_162 : i32
        %add3A_164 = arith.constant 24576 : i32
        %add3A_165 = arith.addi %mul3A_163, %add3A_164 : i32
        "tpu.region"() ({
          %run_scoped3A_178 = tpu.sem_alloc : memref<!tpu.dma_semaphore, #tpu.memory_space<semaphore_mem>>
          %dma_start3A = tpu.memref_slice %arg12[%add3A_165] : memref<262152xf32, #tpu.memory_space<vmem_shared>> -> memref<2048xf32, #tpu.memory_space<vmem_shared>>
          %dma_start3A_179 = tpu.memref_slice %arg12[%add3A_165] : memref<262152xf32, #tpu.memory_space<vmem_shared>> -> memref<2048xf32, #tpu.memory_space<vmem_shared>>
          tpu.enqueue_dma source(%arg11 : memref<2048xf32, #tpu.memory_space<vmem>>) target(%dma_start3A_179 : memref<2048xf32, #tpu.memory_space<vmem_shared>>) target_semaphore(%run_scoped3A_178 : memref<!tpu.dma_semaphore, #tpu.memory_space<semaphore_mem>>)
          %dma_wait3A = tpu.memref_slice %arg12[%add3A_165] : memref<262152xf32, #tpu.memory_space<vmem_shared>> -> memref<2048xf32, #tpu.memory_space<vmem_shared>>
          %dma_wait3A_180 = tpu.memref_slice %arg12[%add3A_165] : memref<262152xf32, #tpu.memory_space<vmem_shared>> -> memref<2048xf32, #tpu.memory_space<vmem_shared>>
          tpu.wait_dma2 semaphore(%run_scoped3A_178 : memref<!tpu.dma_semaphore, #tpu.memory_space<semaphore_mem>>) src(%arg11 : memref<2048xf32, #tpu.memory_space<vmem>>) dst(%dma_wait3A_180 : memref<2048xf32, #tpu.memory_space<vmem_shared>>)
          tpu.yield
        }) : () -> ()
        %mul3A_166 = arith.constant 32768 : i32
        %mul3A_167 = arith.muli %select_n3A_28, %mul3A_166 : i32
        %add3A_168 = arith.constant 26624 : i32
        %add3A_169 = arith.addi %mul3A_167, %add3A_168 : i32
        "tpu.region"() ({
          %run_scoped3A_178 = tpu.sem_alloc : memref<!tpu.dma_semaphore, #tpu.memory_space<semaphore_mem>>
          %dma_start3A = tpu.memref_slice %arg12[%add3A_169] : memref<262152xf32, #tpu.memory_space<vmem_shared>> -> memref<2048xf32, #tpu.memory_space<vmem_shared>>
          %dma_start3A_179 = tpu.memref_slice %arg12[%add3A_169] : memref<262152xf32, #tpu.memory_space<vmem_shared>> -> memref<2048xf32, #tpu.memory_space<vmem_shared>>
          tpu.enqueue_dma source(%arg11 : memref<2048xf32, #tpu.memory_space<vmem>>) target(%dma_start3A_179 : memref<2048xf32, #tpu.memory_space<vmem_shared>>) target_semaphore(%run_scoped3A_178 : memref<!tpu.dma_semaphore, #tpu.memory_space<semaphore_mem>>)
          %dma_wait3A = tpu.memref_slice %arg12[%add3A_169] : memref<262152xf32, #tpu.memory_space<vmem_shared>> -> memref<2048xf32, #tpu.memory_space<vmem_shared>>
          %dma_wait3A_180 = tpu.memref_slice %arg12[%add3A_169] : memref<262152xf32, #tpu.memory_space<vmem_shared>> -> memref<2048xf32, #tpu.memory_space<vmem_shared>>
          tpu.wait_dma2 semaphore(%run_scoped3A_178 : memref<!tpu.dma_semaphore, #tpu.memory_space<semaphore_mem>>) src(%arg11 : memref<2048xf32, #tpu.memory_space<vmem>>) dst(%dma_wait3A_180 : memref<2048xf32, #tpu.memory_space<vmem_shared>>)
          tpu.yield
        }) : () -> ()
        %mul3A_170 = arith.constant 32768 : i32
        %mul3A_171 = arith.muli %select_n3A_28, %mul3A_170 : i32
        %add3A_172 = arith.constant 28672 : i32
        %add3A_173 = arith.addi %mul3A_171, %add3A_172 : i32
        "tpu.region"() ({
          %run_scoped3A_178 = tpu.sem_alloc : memref<!tpu.dma_semaphore, #tpu.memory_space<semaphore_mem>>
          %dma_start3A = tpu.memref_slice %arg12[%add3A_173] : memref<262152xf32, #tpu.memory_space<vmem_shared>> -> memref<2048xf32, #tpu.memory_space<vmem_shared>>
          %dma_start3A_179 = tpu.memref_slice %arg12[%add3A_173] : memref<262152xf32, #tpu.memory_space<vmem_shared>> -> memref<2048xf32, #tpu.memory_space<vmem_shared>>
          tpu.enqueue_dma source(%arg11 : memref<2048xf32, #tpu.memory_space<vmem>>) target(%dma_start3A_179 : memref<2048xf32, #tpu.memory_space<vmem_shared>>) target_semaphore(%run_scoped3A_178 : memref<!tpu.dma_semaphore, #tpu.memory_space<semaphore_mem>>)
          %dma_wait3A = tpu.memref_slice %arg12[%add3A_173] : memref<262152xf32, #tpu.memory_space<vmem_shared>> -> memref<2048xf32, #tpu.memory_space<vmem_shared>>
          %dma_wait3A_180 = tpu.memref_slice %arg12[%add3A_173] : memref<262152xf32, #tpu.memory_space<vmem_shared>> -> memref<2048xf32, #tpu.memory_space<vmem_shared>>
          tpu.wait_dma2 semaphore(%run_scoped3A_178 : memref<!tpu.dma_semaphore, #tpu.memory_space<semaphore_mem>>) src(%arg11 : memref<2048xf32, #tpu.memory_space<vmem>>) dst(%dma_wait3A_180 : memref<2048xf32, #tpu.memory_space<vmem_shared>>)
          tpu.yield
        }) : () -> ()
        %mul3A_174 = arith.constant 32768 : i32
        %mul3A_175 = arith.muli %select_n3A_28, %mul3A_174 : i32
        %add3A_176 = arith.constant 30720 : i32
        %add3A_177 = arith.addi %mul3A_175, %add3A_176 : i32
        "tpu.region"() ({
          %run_scoped3A_178 = tpu.sem_alloc : memref<!tpu.dma_semaphore, #tpu.memory_space<semaphore_mem>>
          %dma_start3A = tpu.memref_slice %arg12[%add3A_177] : memref<262152xf32, #tpu.memory_space<vmem_shared>> -> memref<2048xf32, #tpu.memory_space<vmem_shared>>
          %dma_start3A_179 = tpu.memref_slice %arg12[%add3A_177] : memref<262152xf32, #tpu.memory_space<vmem_shared>> -> memref<2048xf32, #tpu.memory_space<vmem_shared>>
          tpu.enqueue_dma source(%arg11 : memref<2048xf32, #tpu.memory_space<vmem>>) target(%dma_start3A_179 : memref<2048xf32, #tpu.memory_space<vmem_shared>>) target_semaphore(%run_scoped3A_178 : memref<!tpu.dma_semaphore, #tpu.memory_space<semaphore_mem>>)
          %dma_wait3A = tpu.memref_slice %arg12[%add3A_177] : memref<262152xf32, #tpu.memory_space<vmem_shared>> -> memref<2048xf32, #tpu.memory_space<vmem_shared>>
          %dma_wait3A_180 = tpu.memref_slice %arg12[%add3A_177] : memref<262152xf32, #tpu.memory_space<vmem_shared>> -> memref<2048xf32, #tpu.memory_space<vmem_shared>>
          tpu.wait_dma2 semaphore(%run_scoped3A_178 : memref<!tpu.dma_semaphore, #tpu.memory_space<semaphore_mem>>) src(%arg11 : memref<2048xf32, #tpu.memory_space<vmem>>) dst(%dma_wait3A_180 : memref<2048xf32, #tpu.memory_space<vmem_shared>>)
          tpu.yield
        }) : () -> ()
      } else {
      }
      %eq3A_87 = arith.constant 1 : i32
      %eq3A_88 = arith.cmpi eq, %select_n3A, %eq3A_87 : i32
      %convert_element_type3A_89 = arith.extui %eq3A_88 : i1 to i32
      %cond3A_90 = arith.constant 0 : i32
      %cond3A_91 = arith.cmpi ne, %convert_element_type3A_89, %cond3A_90 : i32
      scf.if %cond3A_91 {
        %mul3A_114 = arith.constant 32768 : i32
        %mul3A_115 = arith.muli %select_n3A_28, %mul3A_114 : i32
        %add3A_116 = arith.constant 0 : i32
        %add3A_117 = arith.addi %mul3A_115, %add3A_116 : i32
        "tpu.region"() ({
          %run_scoped3A_178 = tpu.sem_alloc : memref<!tpu.dma_semaphore, #tpu.memory_space<semaphore_mem>>
          %dma_start3A = tpu.memref_slice %arg13[%add3A_117] : memref<262152xf32, #tpu.memory_space<vmem_shared>> -> memref<2048xf32, #tpu.memory_space<vmem_shared>>
          %dma_start3A_179 = tpu.memref_slice %arg13[%add3A_117] : memref<262152xf32, #tpu.memory_space<vmem_shared>> -> memref<2048xf32, #tpu.memory_space<vmem_shared>>
          tpu.enqueue_dma source(%arg11 : memref<2048xf32, #tpu.memory_space<vmem>>) target(%dma_start3A_179 : memref<2048xf32, #tpu.memory_space<vmem_shared>>) target_semaphore(%run_scoped3A_178 : memref<!tpu.dma_semaphore, #tpu.memory_space<semaphore_mem>>)
          %dma_wait3A = tpu.memref_slice %arg13[%add3A_117] : memref<262152xf32, #tpu.memory_space<vmem_shared>> -> memref<2048xf32, #tpu.memory_space<vmem_shared>>
          %dma_wait3A_180 = tpu.memref_slice %arg13[%add3A_117] : memref<262152xf32, #tpu.memory_space<vmem_shared>> -> memref<2048xf32, #tpu.memory_space<vmem_shared>>
          tpu.wait_dma2 semaphore(%run_scoped3A_178 : memref<!tpu.dma_semaphore, #tpu.memory_space<semaphore_mem>>) src(%arg11 : memref<2048xf32, #tpu.memory_space<vmem>>) dst(%dma_wait3A_180 : memref<2048xf32, #tpu.memory_space<vmem_shared>>)
          tpu.yield
        }) : () -> ()
        %mul3A_118 = arith.constant 32768 : i32
        %mul3A_119 = arith.muli %select_n3A_28, %mul3A_118 : i32
        %add3A_120 = arith.constant 2048 : i32
        %add3A_121 = arith.addi %mul3A_119, %add3A_120 : i32
        "tpu.region"() ({
          %run_scoped3A_178 = tpu.sem_alloc : memref<!tpu.dma_semaphore, #tpu.memory_space<semaphore_mem>>
          %dma_start3A = tpu.memref_slice %arg13[%add3A_121] : memref<262152xf32, #tpu.memory_space<vmem_shared>> -> memref<2048xf32, #tpu.memory_space<vmem_shared>>
          %dma_start3A_179 = tpu.memref_slice %arg13[%add3A_121] : memref<262152xf32, #tpu.memory_space<vmem_shared>> -> memref<2048xf32, #tpu.memory_space<vmem_shared>>
          tpu.enqueue_dma source(%arg11 : memref<2048xf32, #tpu.memory_space<vmem>>) target(%dma_start3A_179 : memref<2048xf32, #tpu.memory_space<vmem_shared>>) target_semaphore(%run_scoped3A_178 : memref<!tpu.dma_semaphore, #tpu.memory_space<semaphore_mem>>)
          %dma_wait3A = tpu.memref_slice %arg13[%add3A_121] : memref<262152xf32, #tpu.memory_space<vmem_shared>> -> memref<2048xf32, #tpu.memory_space<vmem_shared>>
          %dma_wait3A_180 = tpu.memref_slice %arg13[%add3A_121] : memref<262152xf32, #tpu.memory_space<vmem_shared>> -> memref<2048xf32, #tpu.memory_space<vmem_shared>>
          tpu.wait_dma2 semaphore(%run_scoped3A_178 : memref<!tpu.dma_semaphore, #tpu.memory_space<semaphore_mem>>) src(%arg11 : memref<2048xf32, #tpu.memory_space<vmem>>) dst(%dma_wait3A_180 : memref<2048xf32, #tpu.memory_space<vmem_shared>>)
          tpu.yield
        }) : () -> ()
        %mul3A_122 = arith.constant 32768 : i32
        %mul3A_123 = arith.muli %select_n3A_28, %mul3A_122 : i32
        %add3A_124 = arith.constant 4096 : i32
        %add3A_125 = arith.addi %mul3A_123, %add3A_124 : i32
        "tpu.region"() ({
          %run_scoped3A_178 = tpu.sem_alloc : memref<!tpu.dma_semaphore, #tpu.memory_space<semaphore_mem>>
          %dma_start3A = tpu.memref_slice %arg13[%add3A_125] : memref<262152xf32, #tpu.memory_space<vmem_shared>> -> memref<2048xf32, #tpu.memory_space<vmem_shared>>
          %dma_start3A_179 = tpu.memref_slice %arg13[%add3A_125] : memref<262152xf32, #tpu.memory_space<vmem_shared>> -> memref<2048xf32, #tpu.memory_space<vmem_shared>>
          tpu.enqueue_dma source(%arg11 : memref<2048xf32, #tpu.memory_space<vmem>>) target(%dma_start3A_179 : memref<2048xf32, #tpu.memory_space<vmem_shared>>) target_semaphore(%run_scoped3A_178 : memref<!tpu.dma_semaphore, #tpu.memory_space<semaphore_mem>>)
          %dma_wait3A = tpu.memref_slice %arg13[%add3A_125] : memref<262152xf32, #tpu.memory_space<vmem_shared>> -> memref<2048xf32, #tpu.memory_space<vmem_shared>>
          %dma_wait3A_180 = tpu.memref_slice %arg13[%add3A_125] : memref<262152xf32, #tpu.memory_space<vmem_shared>> -> memref<2048xf32, #tpu.memory_space<vmem_shared>>
          tpu.wait_dma2 semaphore(%run_scoped3A_178 : memref<!tpu.dma_semaphore, #tpu.memory_space<semaphore_mem>>) src(%arg11 : memref<2048xf32, #tpu.memory_space<vmem>>) dst(%dma_wait3A_180 : memref<2048xf32, #tpu.memory_space<vmem_shared>>)
          tpu.yield
        }) : () -> ()
        %mul3A_126 = arith.constant 32768 : i32
        %mul3A_127 = arith.muli %select_n3A_28, %mul3A_126 : i32
        %add3A_128 = arith.constant 6144 : i32
        %add3A_129 = arith.addi %mul3A_127, %add3A_128 : i32
        "tpu.region"() ({
          %run_scoped3A_178 = tpu.sem_alloc : memref<!tpu.dma_semaphore, #tpu.memory_space<semaphore_mem>>
          %dma_start3A = tpu.memref_slice %arg13[%add3A_129] : memref<262152xf32, #tpu.memory_space<vmem_shared>> -> memref<2048xf32, #tpu.memory_space<vmem_shared>>
          %dma_start3A_179 = tpu.memref_slice %arg13[%add3A_129] : memref<262152xf32, #tpu.memory_space<vmem_shared>> -> memref<2048xf32, #tpu.memory_space<vmem_shared>>
          tpu.enqueue_dma source(%arg11 : memref<2048xf32, #tpu.memory_space<vmem>>) target(%dma_start3A_179 : memref<2048xf32, #tpu.memory_space<vmem_shared>>) target_semaphore(%run_scoped3A_178 : memref<!tpu.dma_semaphore, #tpu.memory_space<semaphore_mem>>)
          %dma_wait3A = tpu.memref_slice %arg13[%add3A_129] : memref<262152xf32, #tpu.memory_space<vmem_shared>> -> memref<2048xf32, #tpu.memory_space<vmem_shared>>
          %dma_wait3A_180 = tpu.memref_slice %arg13[%add3A_129] : memref<262152xf32, #tpu.memory_space<vmem_shared>> -> memref<2048xf32, #tpu.memory_space<vmem_shared>>
          tpu.wait_dma2 semaphore(%run_scoped3A_178 : memref<!tpu.dma_semaphore, #tpu.memory_space<semaphore_mem>>) src(%arg11 : memref<2048xf32, #tpu.memory_space<vmem>>) dst(%dma_wait3A_180 : memref<2048xf32, #tpu.memory_space<vmem_shared>>)
          tpu.yield
        }) : () -> ()
        %mul3A_130 = arith.constant 32768 : i32
        %mul3A_131 = arith.muli %select_n3A_28, %mul3A_130 : i32
        %add3A_132 = arith.constant 8192 : i32
        %add3A_133 = arith.addi %mul3A_131, %add3A_132 : i32
        "tpu.region"() ({
          %run_scoped3A_178 = tpu.sem_alloc : memref<!tpu.dma_semaphore, #tpu.memory_space<semaphore_mem>>
          %dma_start3A = tpu.memref_slice %arg13[%add3A_133] : memref<262152xf32, #tpu.memory_space<vmem_shared>> -> memref<2048xf32, #tpu.memory_space<vmem_shared>>
          %dma_start3A_179 = tpu.memref_slice %arg13[%add3A_133] : memref<262152xf32, #tpu.memory_space<vmem_shared>> -> memref<2048xf32, #tpu.memory_space<vmem_shared>>
          tpu.enqueue_dma source(%arg11 : memref<2048xf32, #tpu.memory_space<vmem>>) target(%dma_start3A_179 : memref<2048xf32, #tpu.memory_space<vmem_shared>>) target_semaphore(%run_scoped3A_178 : memref<!tpu.dma_semaphore, #tpu.memory_space<semaphore_mem>>)
          %dma_wait3A = tpu.memref_slice %arg13[%add3A_133] : memref<262152xf32, #tpu.memory_space<vmem_shared>> -> memref<2048xf32, #tpu.memory_space<vmem_shared>>
          %dma_wait3A_180 = tpu.memref_slice %arg13[%add3A_133] : memref<262152xf32, #tpu.memory_space<vmem_shared>> -> memref<2048xf32, #tpu.memory_space<vmem_shared>>
          tpu.wait_dma2 semaphore(%run_scoped3A_178 : memref<!tpu.dma_semaphore, #tpu.memory_space<semaphore_mem>>) src(%arg11 : memref<2048xf32, #tpu.memory_space<vmem>>) dst(%dma_wait3A_180 : memref<2048xf32, #tpu.memory_space<vmem_shared>>)
          tpu.yield
        }) : () -> ()
        %mul3A_134 = arith.constant 32768 : i32
        %mul3A_135 = arith.muli %select_n3A_28, %mul3A_134 : i32
        %add3A_136 = arith.constant 10240 : i32
        %add3A_137 = arith.addi %mul3A_135, %add3A_136 : i32
        "tpu.region"() ({
          %run_scoped3A_178 = tpu.sem_alloc : memref<!tpu.dma_semaphore, #tpu.memory_space<semaphore_mem>>
          %dma_start3A = tpu.memref_slice %arg13[%add3A_137] : memref<262152xf32, #tpu.memory_space<vmem_shared>> -> memref<2048xf32, #tpu.memory_space<vmem_shared>>
          %dma_start3A_179 = tpu.memref_slice %arg13[%add3A_137] : memref<262152xf32, #tpu.memory_space<vmem_shared>> -> memref<2048xf32, #tpu.memory_space<vmem_shared>>
          tpu.enqueue_dma source(%arg11 : memref<2048xf32, #tpu.memory_space<vmem>>) target(%dma_start3A_179 : memref<2048xf32, #tpu.memory_space<vmem_shared>>) target_semaphore(%run_scoped3A_178 : memref<!tpu.dma_semaphore, #tpu.memory_space<semaphore_mem>>)
          %dma_wait3A = tpu.memref_slice %arg13[%add3A_137] : memref<262152xf32, #tpu.memory_space<vmem_shared>> -> memref<2048xf32, #tpu.memory_space<vmem_shared>>
          %dma_wait3A_180 = tpu.memref_slice %arg13[%add3A_137] : memref<262152xf32, #tpu.memory_space<vmem_shared>> -> memref<2048xf32, #tpu.memory_space<vmem_shared>>
          tpu.wait_dma2 semaphore(%run_scoped3A_178 : memref<!tpu.dma_semaphore, #tpu.memory_space<semaphore_mem>>) src(%arg11 : memref<2048xf32, #tpu.memory_space<vmem>>) dst(%dma_wait3A_180 : memref<2048xf32, #tpu.memory_space<vmem_shared>>)
          tpu.yield
        }) : () -> ()
        %mul3A_138 = arith.constant 32768 : i32
        %mul3A_139 = arith.muli %select_n3A_28, %mul3A_138 : i32
        %add3A_140 = arith.constant 12288 : i32
        %add3A_141 = arith.addi %mul3A_139, %add3A_140 : i32
        "tpu.region"() ({
          %run_scoped3A_178 = tpu.sem_alloc : memref<!tpu.dma_semaphore, #tpu.memory_space<semaphore_mem>>
          %dma_start3A = tpu.memref_slice %arg13[%add3A_141] : memref<262152xf32, #tpu.memory_space<vmem_shared>> -> memref<2048xf32, #tpu.memory_space<vmem_shared>>
          %dma_start3A_179 = tpu.memref_slice %arg13[%add3A_141] : memref<262152xf32, #tpu.memory_space<vmem_shared>> -> memref<2048xf32, #tpu.memory_space<vmem_shared>>
          tpu.enqueue_dma source(%arg11 : memref<2048xf32, #tpu.memory_space<vmem>>) target(%dma_start3A_179 : memref<2048xf32, #tpu.memory_space<vmem_shared>>) target_semaphore(%run_scoped3A_178 : memref<!tpu.dma_semaphore, #tpu.memory_space<semaphore_mem>>)
          %dma_wait3A = tpu.memref_slice %arg13[%add3A_141] : memref<262152xf32, #tpu.memory_space<vmem_shared>> -> memref<2048xf32, #tpu.memory_space<vmem_shared>>
          %dma_wait3A_180 = tpu.memref_slice %arg13[%add3A_141] : memref<262152xf32, #tpu.memory_space<vmem_shared>> -> memref<2048xf32, #tpu.memory_space<vmem_shared>>
          tpu.wait_dma2 semaphore(%run_scoped3A_178 : memref<!tpu.dma_semaphore, #tpu.memory_space<semaphore_mem>>) src(%arg11 : memref<2048xf32, #tpu.memory_space<vmem>>) dst(%dma_wait3A_180 : memref<2048xf32, #tpu.memory_space<vmem_shared>>)
          tpu.yield
        }) : () -> ()
        %mul3A_142 = arith.constant 32768 : i32
        %mul3A_143 = arith.muli %select_n3A_28, %mul3A_142 : i32
        %add3A_144 = arith.constant 14336 : i32
        %add3A_145 = arith.addi %mul3A_143, %add3A_144 : i32
        "tpu.region"() ({
          %run_scoped3A_178 = tpu.sem_alloc : memref<!tpu.dma_semaphore, #tpu.memory_space<semaphore_mem>>
          %dma_start3A = tpu.memref_slice %arg13[%add3A_145] : memref<262152xf32, #tpu.memory_space<vmem_shared>> -> memref<2048xf32, #tpu.memory_space<vmem_shared>>
          %dma_start3A_179 = tpu.memref_slice %arg13[%add3A_145] : memref<262152xf32, #tpu.memory_space<vmem_shared>> -> memref<2048xf32, #tpu.memory_space<vmem_shared>>
          tpu.enqueue_dma source(%arg11 : memref<2048xf32, #tpu.memory_space<vmem>>) target(%dma_start3A_179 : memref<2048xf32, #tpu.memory_space<vmem_shared>>) target_semaphore(%run_scoped3A_178 : memref<!tpu.dma_semaphore, #tpu.memory_space<semaphore_mem>>)
          %dma_wait3A = tpu.memref_slice %arg13[%add3A_145] : memref<262152xf32, #tpu.memory_space<vmem_shared>> -> memref<2048xf32, #tpu.memory_space<vmem_shared>>
          %dma_wait3A_180 = tpu.memref_slice %arg13[%add3A_145] : memref<262152xf32, #tpu.memory_space<vmem_shared>> -> memref<2048xf32, #tpu.memory_space<vmem_shared>>
          tpu.wait_dma2 semaphore(%run_scoped3A_178 : memref<!tpu.dma_semaphore, #tpu.memory_space<semaphore_mem>>) src(%arg11 : memref<2048xf32, #tpu.memory_space<vmem>>) dst(%dma_wait3A_180 : memref<2048xf32, #tpu.memory_space<vmem_shared>>)
          tpu.yield
        }) : () -> ()
        %mul3A_146 = arith.constant 32768 : i32
        %mul3A_147 = arith.muli %select_n3A_28, %mul3A_146 : i32
        %add3A_148 = arith.constant 16384 : i32
        %add3A_149 = arith.addi %mul3A_147, %add3A_148 : i32
        "tpu.region"() ({
          %run_scoped3A_178 = tpu.sem_alloc : memref<!tpu.dma_semaphore, #tpu.memory_space<semaphore_mem>>
          %dma_start3A = tpu.memref_slice %arg13[%add3A_149] : memref<262152xf32, #tpu.memory_space<vmem_shared>> -> memref<2048xf32, #tpu.memory_space<vmem_shared>>
          %dma_start3A_179 = tpu.memref_slice %arg13[%add3A_149] : memref<262152xf32, #tpu.memory_space<vmem_shared>> -> memref<2048xf32, #tpu.memory_space<vmem_shared>>
          tpu.enqueue_dma source(%arg11 : memref<2048xf32, #tpu.memory_space<vmem>>) target(%dma_start3A_179 : memref<2048xf32, #tpu.memory_space<vmem_shared>>) target_semaphore(%run_scoped3A_178 : memref<!tpu.dma_semaphore, #tpu.memory_space<semaphore_mem>>)
          %dma_wait3A = tpu.memref_slice %arg13[%add3A_149] : memref<262152xf32, #tpu.memory_space<vmem_shared>> -> memref<2048xf32, #tpu.memory_space<vmem_shared>>
          %dma_wait3A_180 = tpu.memref_slice %arg13[%add3A_149] : memref<262152xf32, #tpu.memory_space<vmem_shared>> -> memref<2048xf32, #tpu.memory_space<vmem_shared>>
          tpu.wait_dma2 semaphore(%run_scoped3A_178 : memref<!tpu.dma_semaphore, #tpu.memory_space<semaphore_mem>>) src(%arg11 : memref<2048xf32, #tpu.memory_space<vmem>>) dst(%dma_wait3A_180 : memref<2048xf32, #tpu.memory_space<vmem_shared>>)
          tpu.yield
        }) : () -> ()
        %mul3A_150 = arith.constant 32768 : i32
        %mul3A_151 = arith.muli %select_n3A_28, %mul3A_150 : i32
        %add3A_152 = arith.constant 18432 : i32
        %add3A_153 = arith.addi %mul3A_151, %add3A_152 : i32
        "tpu.region"() ({
          %run_scoped3A_178 = tpu.sem_alloc : memref<!tpu.dma_semaphore, #tpu.memory_space<semaphore_mem>>
          %dma_start3A = tpu.memref_slice %arg13[%add3A_153] : memref<262152xf32, #tpu.memory_space<vmem_shared>> -> memref<2048xf32, #tpu.memory_space<vmem_shared>>
          %dma_start3A_179 = tpu.memref_slice %arg13[%add3A_153] : memref<262152xf32, #tpu.memory_space<vmem_shared>> -> memref<2048xf32, #tpu.memory_space<vmem_shared>>
          tpu.enqueue_dma source(%arg11 : memref<2048xf32, #tpu.memory_space<vmem>>) target(%dma_start3A_179 : memref<2048xf32, #tpu.memory_space<vmem_shared>>) target_semaphore(%run_scoped3A_178 : memref<!tpu.dma_semaphore, #tpu.memory_space<semaphore_mem>>)
          %dma_wait3A = tpu.memref_slice %arg13[%add3A_153] : memref<262152xf32, #tpu.memory_space<vmem_shared>> -> memref<2048xf32, #tpu.memory_space<vmem_shared>>
          %dma_wait3A_180 = tpu.memref_slice %arg13[%add3A_153] : memref<262152xf32, #tpu.memory_space<vmem_shared>> -> memref<2048xf32, #tpu.memory_space<vmem_shared>>
          tpu.wait_dma2 semaphore(%run_scoped3A_178 : memref<!tpu.dma_semaphore, #tpu.memory_space<semaphore_mem>>) src(%arg11 : memref<2048xf32, #tpu.memory_space<vmem>>) dst(%dma_wait3A_180 : memref<2048xf32, #tpu.memory_space<vmem_shared>>)
          tpu.yield
        }) : () -> ()
        %mul3A_154 = arith.constant 32768 : i32
        %mul3A_155 = arith.muli %select_n3A_28, %mul3A_154 : i32
        %add3A_156 = arith.constant 20480 : i32
        %add3A_157 = arith.addi %mul3A_155, %add3A_156 : i32
        "tpu.region"() ({
          %run_scoped3A_178 = tpu.sem_alloc : memref<!tpu.dma_semaphore, #tpu.memory_space<semaphore_mem>>
          %dma_start3A = tpu.memref_slice %arg13[%add3A_157] : memref<262152xf32, #tpu.memory_space<vmem_shared>> -> memref<2048xf32, #tpu.memory_space<vmem_shared>>
          %dma_start3A_179 = tpu.memref_slice %arg13[%add3A_157] : memref<262152xf32, #tpu.memory_space<vmem_shared>> -> memref<2048xf32, #tpu.memory_space<vmem_shared>>
          tpu.enqueue_dma source(%arg11 : memref<2048xf32, #tpu.memory_space<vmem>>) target(%dma_start3A_179 : memref<2048xf32, #tpu.memory_space<vmem_shared>>) target_semaphore(%run_scoped3A_178 : memref<!tpu.dma_semaphore, #tpu.memory_space<semaphore_mem>>)
          %dma_wait3A = tpu.memref_slice %arg13[%add3A_157] : memref<262152xf32, #tpu.memory_space<vmem_shared>> -> memref<2048xf32, #tpu.memory_space<vmem_shared>>
          %dma_wait3A_180 = tpu.memref_slice %arg13[%add3A_157] : memref<262152xf32, #tpu.memory_space<vmem_shared>> -> memref<2048xf32, #tpu.memory_space<vmem_shared>>
          tpu.wait_dma2 semaphore(%run_scoped3A_178 : memref<!tpu.dma_semaphore, #tpu.memory_space<semaphore_mem>>) src(%arg11 : memref<2048xf32, #tpu.memory_space<vmem>>) dst(%dma_wait3A_180 : memref<2048xf32, #tpu.memory_space<vmem_shared>>)
          tpu.yield
        }) : () -> ()
        %mul3A_158 = arith.constant 32768 : i32
        %mul3A_159 = arith.muli %select_n3A_28, %mul3A_158 : i32
        %add3A_160 = arith.constant 22528 : i32
        %add3A_161 = arith.addi %mul3A_159, %add3A_160 : i32
        "tpu.region"() ({
          %run_scoped3A_178 = tpu.sem_alloc : memref<!tpu.dma_semaphore, #tpu.memory_space<semaphore_mem>>
          %dma_start3A = tpu.memref_slice %arg13[%add3A_161] : memref<262152xf32, #tpu.memory_space<vmem_shared>> -> memref<2048xf32, #tpu.memory_space<vmem_shared>>
          %dma_start3A_179 = tpu.memref_slice %arg13[%add3A_161] : memref<262152xf32, #tpu.memory_space<vmem_shared>> -> memref<2048xf32, #tpu.memory_space<vmem_shared>>
          tpu.enqueue_dma source(%arg11 : memref<2048xf32, #tpu.memory_space<vmem>>) target(%dma_start3A_179 : memref<2048xf32, #tpu.memory_space<vmem_shared>>) target_semaphore(%run_scoped3A_178 : memref<!tpu.dma_semaphore, #tpu.memory_space<semaphore_mem>>)
          %dma_wait3A = tpu.memref_slice %arg13[%add3A_161] : memref<262152xf32, #tpu.memory_space<vmem_shared>> -> memref<2048xf32, #tpu.memory_space<vmem_shared>>
          %dma_wait3A_180 = tpu.memref_slice %arg13[%add3A_161] : memref<262152xf32, #tpu.memory_space<vmem_shared>> -> memref<2048xf32, #tpu.memory_space<vmem_shared>>
          tpu.wait_dma2 semaphore(%run_scoped3A_178 : memref<!tpu.dma_semaphore, #tpu.memory_space<semaphore_mem>>) src(%arg11 : memref<2048xf32, #tpu.memory_space<vmem>>) dst(%dma_wait3A_180 : memref<2048xf32, #tpu.memory_space<vmem_shared>>)
          tpu.yield
        }) : () -> ()
        %mul3A_162 = arith.constant 32768 : i32
        %mul3A_163 = arith.muli %select_n3A_28, %mul3A_162 : i32
        %add3A_164 = arith.constant 24576 : i32
        %add3A_165 = arith.addi %mul3A_163, %add3A_164 : i32
        "tpu.region"() ({
          %run_scoped3A_178 = tpu.sem_alloc : memref<!tpu.dma_semaphore, #tpu.memory_space<semaphore_mem>>
          %dma_start3A = tpu.memref_slice %arg13[%add3A_165] : memref<262152xf32, #tpu.memory_space<vmem_shared>> -> memref<2048xf32, #tpu.memory_space<vmem_shared>>
          %dma_start3A_179 = tpu.memref_slice %arg13[%add3A_165] : memref<262152xf32, #tpu.memory_space<vmem_shared>> -> memref<2048xf32, #tpu.memory_space<vmem_shared>>
          tpu.enqueue_dma source(%arg11 : memref<2048xf32, #tpu.memory_space<vmem>>) target(%dma_start3A_179 : memref<2048xf32, #tpu.memory_space<vmem_shared>>) target_semaphore(%run_scoped3A_178 : memref<!tpu.dma_semaphore, #tpu.memory_space<semaphore_mem>>)
          %dma_wait3A = tpu.memref_slice %arg13[%add3A_165] : memref<262152xf32, #tpu.memory_space<vmem_shared>> -> memref<2048xf32, #tpu.memory_space<vmem_shared>>
          %dma_wait3A_180 = tpu.memref_slice %arg13[%add3A_165] : memref<262152xf32, #tpu.memory_space<vmem_shared>> -> memref<2048xf32, #tpu.memory_space<vmem_shared>>
          tpu.wait_dma2 semaphore(%run_scoped3A_178 : memref<!tpu.dma_semaphore, #tpu.memory_space<semaphore_mem>>) src(%arg11 : memref<2048xf32, #tpu.memory_space<vmem>>) dst(%dma_wait3A_180 : memref<2048xf32, #tpu.memory_space<vmem_shared>>)
          tpu.yield
        }) : () -> ()
        %mul3A_166 = arith.constant 32768 : i32
        %mul3A_167 = arith.muli %select_n3A_28, %mul3A_166 : i32
        %add3A_168 = arith.constant 26624 : i32
        %add3A_169 = arith.addi %mul3A_167, %add3A_168 : i32
        "tpu.region"() ({
          %run_scoped3A_178 = tpu.sem_alloc : memref<!tpu.dma_semaphore, #tpu.memory_space<semaphore_mem>>
          %dma_start3A = tpu.memref_slice %arg13[%add3A_169] : memref<262152xf32, #tpu.memory_space<vmem_shared>> -> memref<2048xf32, #tpu.memory_space<vmem_shared>>
          %dma_start3A_179 = tpu.memref_slice %arg13[%add3A_169] : memref<262152xf32, #tpu.memory_space<vmem_shared>> -> memref<2048xf32, #tpu.memory_space<vmem_shared>>
          tpu.enqueue_dma source(%arg11 : memref<2048xf32, #tpu.memory_space<vmem>>) target(%dma_start3A_179 : memref<2048xf32, #tpu.memory_space<vmem_shared>>) target_semaphore(%run_scoped3A_178 : memref<!tpu.dma_semaphore, #tpu.memory_space<semaphore_mem>>)
          %dma_wait3A = tpu.memref_slice %arg13[%add3A_169] : memref<262152xf32, #tpu.memory_space<vmem_shared>> -> memref<2048xf32, #tpu.memory_space<vmem_shared>>
          %dma_wait3A_180 = tpu.memref_slice %arg13[%add3A_169] : memref<262152xf32, #tpu.memory_space<vmem_shared>> -> memref<2048xf32, #tpu.memory_space<vmem_shared>>
          tpu.wait_dma2 semaphore(%run_scoped3A_178 : memref<!tpu.dma_semaphore, #tpu.memory_space<semaphore_mem>>) src(%arg11 : memref<2048xf32, #tpu.memory_space<vmem>>) dst(%dma_wait3A_180 : memref<2048xf32, #tpu.memory_space<vmem_shared>>)
          tpu.yield
        }) : () -> ()
        %mul3A_170 = arith.constant 32768 : i32
        %mul3A_171 = arith.muli %select_n3A_28, %mul3A_170 : i32
        %add3A_172 = arith.constant 28672 : i32
        %add3A_173 = arith.addi %mul3A_171, %add3A_172 : i32
        "tpu.region"() ({
          %run_scoped3A_178 = tpu.sem_alloc : memref<!tpu.dma_semaphore, #tpu.memory_space<semaphore_mem>>
          %dma_start3A = tpu.memref_slice %arg13[%add3A_173] : memref<262152xf32, #tpu.memory_space<vmem_shared>> -> memref<2048xf32, #tpu.memory_space<vmem_shared>>
          %dma_start3A_179 = tpu.memref_slice %arg13[%add3A_173] : memref<262152xf32, #tpu.memory_space<vmem_shared>> -> memref<2048xf32, #tpu.memory_space<vmem_shared>>
          tpu.enqueue_dma source(%arg11 : memref<2048xf32, #tpu.memory_space<vmem>>) target(%dma_start3A_179 : memref<2048xf32, #tpu.memory_space<vmem_shared>>) target_semaphore(%run_scoped3A_178 : memref<!tpu.dma_semaphore, #tpu.memory_space<semaphore_mem>>)
          %dma_wait3A = tpu.memref_slice %arg13[%add3A_173] : memref<262152xf32, #tpu.memory_space<vmem_shared>> -> memref<2048xf32, #tpu.memory_space<vmem_shared>>
          %dma_wait3A_180 = tpu.memref_slice %arg13[%add3A_173] : memref<262152xf32, #tpu.memory_space<vmem_shared>> -> memref<2048xf32, #tpu.memory_space<vmem_shared>>
          tpu.wait_dma2 semaphore(%run_scoped3A_178 : memref<!tpu.dma_semaphore, #tpu.memory_space<semaphore_mem>>) src(%arg11 : memref<2048xf32, #tpu.memory_space<vmem>>) dst(%dma_wait3A_180 : memref<2048xf32, #tpu.memory_space<vmem_shared>>)
          tpu.yield
        }) : () -> ()
        %mul3A_174 = arith.constant 32768 : i32
        %mul3A_175 = arith.muli %select_n3A_28, %mul3A_174 : i32
        %add3A_176 = arith.constant 30720 : i32
        %add3A_177 = arith.addi %mul3A_175, %add3A_176 : i32
        "tpu.region"() ({
          %run_scoped3A_178 = tpu.sem_alloc : memref<!tpu.dma_semaphore, #tpu.memory_space<semaphore_mem>>
          %dma_start3A = tpu.memref_slice %arg13[%add3A_177] : memref<262152xf32, #tpu.memory_space<vmem_shared>> -> memref<2048xf32, #tpu.memory_space<vmem_shared>>
          %dma_start3A_179 = tpu.memref_slice %arg13[%add3A_177] : memref<262152xf32, #tpu.memory_space<vmem_shared>> -> memref<2048xf32, #tpu.memory_space<vmem_shared>>
          tpu.enqueue_dma source(%arg11 : memref<2048xf32, #tpu.memory_space<vmem>>) target(%dma_start3A_179 : memref<2048xf32, #tpu.memory_space<vmem_shared>>) target_semaphore(%run_scoped3A_178 : memref<!tpu.dma_semaphore, #tpu.memory_space<semaphore_mem>>)
          %dma_wait3A = tpu.memref_slice %arg13[%add3A_177] : memref<262152xf32, #tpu.memory_space<vmem_shared>> -> memref<2048xf32, #tpu.memory_space<vmem_shared>>
          %dma_wait3A_180 = tpu.memref_slice %arg13[%add3A_177] : memref<262152xf32, #tpu.memory_space<vmem_shared>> -> memref<2048xf32, #tpu.memory_space<vmem_shared>>
          tpu.wait_dma2 semaphore(%run_scoped3A_178 : memref<!tpu.dma_semaphore, #tpu.memory_space<semaphore_mem>>) src(%arg11 : memref<2048xf32, #tpu.memory_space<vmem>>) dst(%dma_wait3A_180 : memref<2048xf32, #tpu.memory_space<vmem_shared>>)
          tpu.yield
        }) : () -> ()
      } else {
      }
      %barrier3A = arith.constant 0 : index
      tpu.barrier barrier_id(%barrier3A)
      %eq3A_92 = arith.constant 0 : i32
      %eq3A_93 = arith.cmpi eq, %select_n3A, %eq3A_92 : i32
      %convert_element_type3A_94 = arith.extui %eq3A_93 : i1 to i32
      %cond3A_95 = arith.constant 0 : i32
      %cond3A_96 = arith.cmpi ne, %convert_element_type3A_94, %cond3A_95 : i32
      scf.if %cond3A_96 {
        %mul3A_114 = arith.constant 1280 : i32
        %mul3A_115 = arith.muli %scan3A_76, %mul3A_114 : i32
        %add3A_116 = arith.constant 0 : i32
        %add3A_117 = arith.addi %mul3A_115, %add3A_116 : i32
        %dma_start3A = arith.constant 0 : i32
        %dma_start3A_118 = tpu.memref_slice %arg9[%add3A_117] : memref<83200xf32, #tpu.memory_space<vmem>> -> memref<128xf32, #tpu.memory_space<vmem>>
        %dma_start3A_119 = arith.constant 0 : i32
        %dma_start3A_120 = tpu.memref_slice %arg8[%dma_start3A, %dma_start3A_119] : memref<10x128xi32, #tpu.memory_space<vmem>> -> memref<1x128xi32, #tpu.memory_space<vmem>>
        %dma_start3A_121 = tpu.memref_squeeze %dma_start3A_120 : memref<1x128xi32, #tpu.memory_space<vmem>> -> memref<128xi32, #tpu.memory_space<vmem>>
        %dma_start3A_122 = arith.constant 0 : i32
        %dma_start3A_123 = tpu.memref_slice %arg12[%dma_start3A_122] : memref<262152xf32, #tpu.memory_space<vmem_shared>> -> memref<262152xf32, #tpu.memory_space<vmem_shared>>
        tpu.enqueue_indirect_dma source(%dma_start3A_118 : memref<128xf32, #tpu.memory_space<vmem>>) target(%dma_start3A_123 : memref<262152xf32, #tpu.memory_space<vmem_shared>>) offsets(%dma_start3A_121 : memref<128xi32, #tpu.memory_space<vmem>>) semaphore(%arg15 : memref<!tpu.dma_semaphore, #tpu.memory_space<semaphore_mem>>) {add = true}
        %mul3A_124 = arith.constant 1280 : i32
        %mul3A_125 = arith.muli %scan3A_76, %mul3A_124 : i32
        %add3A_126 = arith.constant 128 : i32
        %add3A_127 = arith.addi %mul3A_125, %add3A_126 : i32
        %dma_start3A_128 = arith.constant 1 : i32
        %dma_start3A_129 = tpu.memref_slice %arg9[%add3A_127] : memref<83200xf32, #tpu.memory_space<vmem>> -> memref<128xf32, #tpu.memory_space<vmem>>
        %dma_start3A_130 = arith.constant 0 : i32
        %dma_start3A_131 = tpu.memref_slice %arg8[%dma_start3A_128, %dma_start3A_130] : memref<10x128xi32, #tpu.memory_space<vmem>> -> memref<1x128xi32, #tpu.memory_space<vmem>>
        %dma_start3A_132 = tpu.memref_squeeze %dma_start3A_131 : memref<1x128xi32, #tpu.memory_space<vmem>> -> memref<128xi32, #tpu.memory_space<vmem>>
        %dma_start3A_133 = arith.constant 0 : i32
        %dma_start3A_134 = tpu.memref_slice %arg12[%dma_start3A_133] : memref<262152xf32, #tpu.memory_space<vmem_shared>> -> memref<262152xf32, #tpu.memory_space<vmem_shared>>
        tpu.enqueue_indirect_dma source(%dma_start3A_129 : memref<128xf32, #tpu.memory_space<vmem>>) target(%dma_start3A_134 : memref<262152xf32, #tpu.memory_space<vmem_shared>>) offsets(%dma_start3A_132 : memref<128xi32, #tpu.memory_space<vmem>>) semaphore(%arg15 : memref<!tpu.dma_semaphore, #tpu.memory_space<semaphore_mem>>) {add = true}
        %mul3A_135 = arith.constant 1280 : i32
        %mul3A_136 = arith.muli %scan3A_76, %mul3A_135 : i32
        %add3A_137 = arith.constant 256 : i32
        %add3A_138 = arith.addi %mul3A_136, %add3A_137 : i32
        %dma_start3A_139 = arith.constant 2 : i32
        %dma_start3A_140 = tpu.memref_slice %arg9[%add3A_138] : memref<83200xf32, #tpu.memory_space<vmem>> -> memref<128xf32, #tpu.memory_space<vmem>>
        %dma_start3A_141 = arith.constant 0 : i32
        %dma_start3A_142 = tpu.memref_slice %arg8[%dma_start3A_139, %dma_start3A_141] : memref<10x128xi32, #tpu.memory_space<vmem>> -> memref<1x128xi32, #tpu.memory_space<vmem>>
        %dma_start3A_143 = tpu.memref_squeeze %dma_start3A_142 : memref<1x128xi32, #tpu.memory_space<vmem>> -> memref<128xi32, #tpu.memory_space<vmem>>
        %dma_start3A_144 = arith.constant 0 : i32
        %dma_start3A_145 = tpu.memref_slice %arg12[%dma_start3A_144] : memref<262152xf32, #tpu.memory_space<vmem_shared>> -> memref<262152xf32, #tpu.memory_space<vmem_shared>>
        tpu.enqueue_indirect_dma source(%dma_start3A_140 : memref<128xf32, #tpu.memory_space<vmem>>) target(%dma_start3A_145 : memref<262152xf32, #tpu.memory_space<vmem_shared>>) offsets(%dma_start3A_143 : memref<128xi32, #tpu.memory_space<vmem>>) semaphore(%arg15 : memref<!tpu.dma_semaphore, #tpu.memory_space<semaphore_mem>>) {add = true}
        %mul3A_146 = arith.constant 1280 : i32
        %mul3A_147 = arith.muli %scan3A_76, %mul3A_146 : i32
        %add3A_148 = arith.constant 384 : i32
        %add3A_149 = arith.addi %mul3A_147, %add3A_148 : i32
        %dma_start3A_150 = arith.constant 3 : i32
        %dma_start3A_151 = tpu.memref_slice %arg9[%add3A_149] : memref<83200xf32, #tpu.memory_space<vmem>> -> memref<128xf32, #tpu.memory_space<vmem>>
        %dma_start3A_152 = arith.constant 0 : i32
        %dma_start3A_153 = tpu.memref_slice %arg8[%dma_start3A_150, %dma_start3A_152] : memref<10x128xi32, #tpu.memory_space<vmem>> -> memref<1x128xi32, #tpu.memory_space<vmem>>
        %dma_start3A_154 = tpu.memref_squeeze %dma_start3A_153 : memref<1x128xi32, #tpu.memory_space<vmem>> -> memref<128xi32, #tpu.memory_space<vmem>>
        %dma_start3A_155 = arith.constant 0 : i32
        %dma_start3A_156 = tpu.memref_slice %arg12[%dma_start3A_155] : memref<262152xf32, #tpu.memory_space<vmem_shared>> -> memref<262152xf32, #tpu.memory_space<vmem_shared>>
        tpu.enqueue_indirect_dma source(%dma_start3A_151 : memref<128xf32, #tpu.memory_space<vmem>>) target(%dma_start3A_156 : memref<262152xf32, #tpu.memory_space<vmem_shared>>) offsets(%dma_start3A_154 : memref<128xi32, #tpu.memory_space<vmem>>) semaphore(%arg15 : memref<!tpu.dma_semaphore, #tpu.memory_space<semaphore_mem>>) {add = true}
        %mul3A_157 = arith.constant 1280 : i32
        %mul3A_158 = arith.muli %scan3A_76, %mul3A_157 : i32
        %add3A_159 = arith.constant 512 : i32
        %add3A_160 = arith.addi %mul3A_158, %add3A_159 : i32
        %dma_start3A_161 = arith.constant 4 : i32
        %dma_start3A_162 = tpu.memref_slice %arg9[%add3A_160] : memref<83200xf32, #tpu.memory_space<vmem>> -> memref<128xf32, #tpu.memory_space<vmem>>
        %dma_start3A_163 = arith.constant 0 : i32
        %dma_start3A_164 = tpu.memref_slice %arg8[%dma_start3A_161, %dma_start3A_163] : memref<10x128xi32, #tpu.memory_space<vmem>> -> memref<1x128xi32, #tpu.memory_space<vmem>>
        %dma_start3A_165 = tpu.memref_squeeze %dma_start3A_164 : memref<1x128xi32, #tpu.memory_space<vmem>> -> memref<128xi32, #tpu.memory_space<vmem>>
        %dma_start3A_166 = arith.constant 0 : i32
        %dma_start3A_167 = tpu.memref_slice %arg12[%dma_start3A_166] : memref<262152xf32, #tpu.memory_space<vmem_shared>> -> memref<262152xf32, #tpu.memory_space<vmem_shared>>
        tpu.enqueue_indirect_dma source(%dma_start3A_162 : memref<128xf32, #tpu.memory_space<vmem>>) target(%dma_start3A_167 : memref<262152xf32, #tpu.memory_space<vmem_shared>>) offsets(%dma_start3A_165 : memref<128xi32, #tpu.memory_space<vmem>>) semaphore(%arg15 : memref<!tpu.dma_semaphore, #tpu.memory_space<semaphore_mem>>) {add = true}
        %mul3A_168 = arith.constant 1280 : i32
        %mul3A_169 = arith.muli %scan3A_76, %mul3A_168 : i32
        %add3A_170 = arith.constant 640 : i32
        %add3A_171 = arith.addi %mul3A_169, %add3A_170 : i32
        %dma_start3A_172 = arith.constant 5 : i32
        %dma_start3A_173 = tpu.memref_slice %arg9[%add3A_171] : memref<83200xf32, #tpu.memory_space<vmem>> -> memref<128xf32, #tpu.memory_space<vmem>>
        %dma_start3A_174 = arith.constant 0 : i32
        %dma_start3A_175 = tpu.memref_slice %arg8[%dma_start3A_172, %dma_start3A_174] : memref<10x128xi32, #tpu.memory_space<vmem>> -> memref<1x128xi32, #tpu.memory_space<vmem>>
        %dma_start3A_176 = tpu.memref_squeeze %dma_start3A_175 : memref<1x128xi32, #tpu.memory_space<vmem>> -> memref<128xi32, #tpu.memory_space<vmem>>
        %dma_start3A_177 = arith.constant 0 : i32
        %dma_start3A_178 = tpu.memref_slice %arg12[%dma_start3A_177] : memref<262152xf32, #tpu.memory_space<vmem_shared>> -> memref<262152xf32, #tpu.memory_space<vmem_shared>>
        tpu.enqueue_indirect_dma source(%dma_start3A_173 : memref<128xf32, #tpu.memory_space<vmem>>) target(%dma_start3A_178 : memref<262152xf32, #tpu.memory_space<vmem_shared>>) offsets(%dma_start3A_176 : memref<128xi32, #tpu.memory_space<vmem>>) semaphore(%arg15 : memref<!tpu.dma_semaphore, #tpu.memory_space<semaphore_mem>>) {add = true}
        %mul3A_179 = arith.constant 1280 : i32
        %mul3A_180 = arith.muli %scan3A_76, %mul3A_179 : i32
        %add3A_181 = arith.constant 768 : i32
        %add3A_182 = arith.addi %mul3A_180, %add3A_181 : i32
        %dma_start3A_183 = arith.constant 6 : i32
        %dma_start3A_184 = tpu.memref_slice %arg9[%add3A_182] : memref<83200xf32, #tpu.memory_space<vmem>> -> memref<128xf32, #tpu.memory_space<vmem>>
        %dma_start3A_185 = arith.constant 0 : i32
        %dma_start3A_186 = tpu.memref_slice %arg8[%dma_start3A_183, %dma_start3A_185] : memref<10x128xi32, #tpu.memory_space<vmem>> -> memref<1x128xi32, #tpu.memory_space<vmem>>
        %dma_start3A_187 = tpu.memref_squeeze %dma_start3A_186 : memref<1x128xi32, #tpu.memory_space<vmem>> -> memref<128xi32, #tpu.memory_space<vmem>>
        %dma_start3A_188 = arith.constant 0 : i32
        %dma_start3A_189 = tpu.memref_slice %arg12[%dma_start3A_188] : memref<262152xf32, #tpu.memory_space<vmem_shared>> -> memref<262152xf32, #tpu.memory_space<vmem_shared>>
        tpu.enqueue_indirect_dma source(%dma_start3A_184 : memref<128xf32, #tpu.memory_space<vmem>>) target(%dma_start3A_189 : memref<262152xf32, #tpu.memory_space<vmem_shared>>) offsets(%dma_start3A_187 : memref<128xi32, #tpu.memory_space<vmem>>) semaphore(%arg15 : memref<!tpu.dma_semaphore, #tpu.memory_space<semaphore_mem>>) {add = true}
        %mul3A_190 = arith.constant 1280 : i32
        %mul3A_191 = arith.muli %scan3A_76, %mul3A_190 : i32
        %add3A_192 = arith.constant 896 : i32
        %add3A_193 = arith.addi %mul3A_191, %add3A_192 : i32
        %dma_start3A_194 = arith.constant 7 : i32
        %dma_start3A_195 = tpu.memref_slice %arg9[%add3A_193] : memref<83200xf32, #tpu.memory_space<vmem>> -> memref<128xf32, #tpu.memory_space<vmem>>
        %dma_start3A_196 = arith.constant 0 : i32
        %dma_start3A_197 = tpu.memref_slice %arg8[%dma_start3A_194, %dma_start3A_196] : memref<10x128xi32, #tpu.memory_space<vmem>> -> memref<1x128xi32, #tpu.memory_space<vmem>>
        %dma_start3A_198 = tpu.memref_squeeze %dma_start3A_197 : memref<1x128xi32, #tpu.memory_space<vmem>> -> memref<128xi32, #tpu.memory_space<vmem>>
        %dma_start3A_199 = arith.constant 0 : i32
        %dma_start3A_200 = tpu.memref_slice %arg12[%dma_start3A_199] : memref<262152xf32, #tpu.memory_space<vmem_shared>> -> memref<262152xf32, #tpu.memory_space<vmem_shared>>
        tpu.enqueue_indirect_dma source(%dma_start3A_195 : memref<128xf32, #tpu.memory_space<vmem>>) target(%dma_start3A_200 : memref<262152xf32, #tpu.memory_space<vmem_shared>>) offsets(%dma_start3A_198 : memref<128xi32, #tpu.memory_space<vmem>>) semaphore(%arg15 : memref<!tpu.dma_semaphore, #tpu.memory_space<semaphore_mem>>) {add = true}
        %mul3A_201 = arith.constant 1280 : i32
        %mul3A_202 = arith.muli %scan3A_76, %mul3A_201 : i32
        %add3A_203 = arith.constant 1024 : i32
        %add3A_204 = arith.addi %mul3A_202, %add3A_203 : i32
        %dma_start3A_205 = arith.constant 8 : i32
        %dma_start3A_206 = tpu.memref_slice %arg9[%add3A_204] : memref<83200xf32, #tpu.memory_space<vmem>> -> memref<128xf32, #tpu.memory_space<vmem>>
        %dma_start3A_207 = arith.constant 0 : i32
        %dma_start3A_208 = tpu.memref_slice %arg8[%dma_start3A_205, %dma_start3A_207] : memref<10x128xi32, #tpu.memory_space<vmem>> -> memref<1x128xi32, #tpu.memory_space<vmem>>
        %dma_start3A_209 = tpu.memref_squeeze %dma_start3A_208 : memref<1x128xi32, #tpu.memory_space<vmem>> -> memref<128xi32, #tpu.memory_space<vmem>>
        %dma_start3A_210 = arith.constant 0 : i32
        %dma_start3A_211 = tpu.memref_slice %arg12[%dma_start3A_210] : memref<262152xf32, #tpu.memory_space<vmem_shared>> -> memref<262152xf32, #tpu.memory_space<vmem_shared>>
        tpu.enqueue_indirect_dma source(%dma_start3A_206 : memref<128xf32, #tpu.memory_space<vmem>>) target(%dma_start3A_211 : memref<262152xf32, #tpu.memory_space<vmem_shared>>) offsets(%dma_start3A_209 : memref<128xi32, #tpu.memory_space<vmem>>) semaphore(%arg15 : memref<!tpu.dma_semaphore, #tpu.memory_space<semaphore_mem>>) {add = true}
        %mul3A_212 = arith.constant 1280 : i32
        %mul3A_213 = arith.muli %scan3A_76, %mul3A_212 : i32
        %add3A_214 = arith.constant 1152 : i32
        %add3A_215 = arith.addi %mul3A_213, %add3A_214 : i32
        %dma_start3A_216 = arith.constant 9 : i32
        %dma_start3A_217 = tpu.memref_slice %arg9[%add3A_215] : memref<83200xf32, #tpu.memory_space<vmem>> -> memref<128xf32, #tpu.memory_space<vmem>>
        %dma_start3A_218 = arith.constant 0 : i32
        %dma_start3A_219 = tpu.memref_slice %arg8[%dma_start3A_216, %dma_start3A_218] : memref<10x128xi32, #tpu.memory_space<vmem>> -> memref<1x128xi32, #tpu.memory_space<vmem>>
        %dma_start3A_220 = tpu.memref_squeeze %dma_start3A_219 : memref<1x128xi32, #tpu.memory_space<vmem>> -> memref<128xi32, #tpu.memory_space<vmem>>
        %dma_start3A_221 = arith.constant 0 : i32
        %dma_start3A_222 = tpu.memref_slice %arg12[%dma_start3A_221] : memref<262152xf32, #tpu.memory_space<vmem_shared>> -> memref<262152xf32, #tpu.memory_space<vmem_shared>>
        tpu.enqueue_indirect_dma source(%dma_start3A_217 : memref<128xf32, #tpu.memory_space<vmem>>) target(%dma_start3A_222 : memref<262152xf32, #tpu.memory_space<vmem_shared>>) offsets(%dma_start3A_220 : memref<128xi32, #tpu.memory_space<vmem>>) semaphore(%arg15 : memref<!tpu.dma_semaphore, #tpu.memory_space<semaphore_mem>>) {add = true}
        %dma_wait3A = arith.constant 0 : i32
        %dma_wait3A_223 = tpu.memref_slice %arg9[%add3A_117] : memref<83200xf32, #tpu.memory_space<vmem>> -> memref<128xf32, #tpu.memory_space<vmem>>
        %dma_wait3A_224 = arith.constant 0 : i32
        %dma_wait3A_225 = tpu.memref_slice %arg8[%dma_wait3A, %dma_wait3A_224] : memref<10x128xi32, #tpu.memory_space<vmem>> -> memref<1x128xi32, #tpu.memory_space<vmem>>
        %dma_wait3A_226 = tpu.memref_squeeze %dma_wait3A_225 : memref<1x128xi32, #tpu.memory_space<vmem>> -> memref<128xi32, #tpu.memory_space<vmem>>
        %dma_wait3A_227 = arith.constant 0 : i32
        %dma_wait3A_228 = tpu.memref_slice %arg12[%dma_wait3A_227] : memref<262152xf32, #tpu.memory_space<vmem_shared>> -> memref<262152xf32, #tpu.memory_space<vmem_shared>>
        tpu.wait_indirect_dma semaphore(%arg15 : memref<!tpu.dma_semaphore, #tpu.memory_space<semaphore_mem>>) src(%dma_wait3A_223 : memref<128xf32, #tpu.memory_space<vmem>>) dst(%dma_wait3A_228 : memref<262152xf32, #tpu.memory_space<vmem_shared>>)
        %dma_wait3A_229 = arith.constant 1 : i32
        %dma_wait3A_230 = tpu.memref_slice %arg9[%add3A_127] : memref<83200xf32, #tpu.memory_space<vmem>> -> memref<128xf32, #tpu.memory_space<vmem>>
        %dma_wait3A_231 = arith.constant 0 : i32
        %dma_wait3A_232 = tpu.memref_slice %arg8[%dma_wait3A_229, %dma_wait3A_231] : memref<10x128xi32, #tpu.memory_space<vmem>> -> memref<1x128xi32, #tpu.memory_space<vmem>>
        %dma_wait3A_233 = tpu.memref_squeeze %dma_wait3A_232 : memref<1x128xi32, #tpu.memory_space<vmem>> -> memref<128xi32, #tpu.memory_space<vmem>>
        %dma_wait3A_234 = arith.constant 0 : i32
        %dma_wait3A_235 = tpu.memref_slice %arg12[%dma_wait3A_234] : memref<262152xf32, #tpu.memory_space<vmem_shared>> -> memref<262152xf32, #tpu.memory_space<vmem_shared>>
        tpu.wait_indirect_dma semaphore(%arg15 : memref<!tpu.dma_semaphore, #tpu.memory_space<semaphore_mem>>) src(%dma_wait3A_230 : memref<128xf32, #tpu.memory_space<vmem>>) dst(%dma_wait3A_235 : memref<262152xf32, #tpu.memory_space<vmem_shared>>)
        %dma_wait3A_236 = arith.constant 2 : i32
        %dma_wait3A_237 = tpu.memref_slice %arg9[%add3A_138] : memref<83200xf32, #tpu.memory_space<vmem>> -> memref<128xf32, #tpu.memory_space<vmem>>
        %dma_wait3A_238 = arith.constant 0 : i32
        %dma_wait3A_239 = tpu.memref_slice %arg8[%dma_wait3A_236, %dma_wait3A_238] : memref<10x128xi32, #tpu.memory_space<vmem>> -> memref<1x128xi32, #tpu.memory_space<vmem>>
        %dma_wait3A_240 = tpu.memref_squeeze %dma_wait3A_239 : memref<1x128xi32, #tpu.memory_space<vmem>> -> memref<128xi32, #tpu.memory_space<vmem>>
        %dma_wait3A_241 = arith.constant 0 : i32
        %dma_wait3A_242 = tpu.memref_slice %arg12[%dma_wait3A_241] : memref<262152xf32, #tpu.memory_space<vmem_shared>> -> memref<262152xf32, #tpu.memory_space<vmem_shared>>
        tpu.wait_indirect_dma semaphore(%arg15 : memref<!tpu.dma_semaphore, #tpu.memory_space<semaphore_mem>>) src(%dma_wait3A_237 : memref<128xf32, #tpu.memory_space<vmem>>) dst(%dma_wait3A_242 : memref<262152xf32, #tpu.memory_space<vmem_shared>>)
        %dma_wait3A_243 = arith.constant 3 : i32
        %dma_wait3A_244 = tpu.memref_slice %arg9[%add3A_149] : memref<83200xf32, #tpu.memory_space<vmem>> -> memref<128xf32, #tpu.memory_space<vmem>>
        %dma_wait3A_245 = arith.constant 0 : i32
        %dma_wait3A_246 = tpu.memref_slice %arg8[%dma_wait3A_243, %dma_wait3A_245] : memref<10x128xi32, #tpu.memory_space<vmem>> -> memref<1x128xi32, #tpu.memory_space<vmem>>
        %dma_wait3A_247 = tpu.memref_squeeze %dma_wait3A_246 : memref<1x128xi32, #tpu.memory_space<vmem>> -> memref<128xi32, #tpu.memory_space<vmem>>
        %dma_wait3A_248 = arith.constant 0 : i32
        %dma_wait3A_249 = tpu.memref_slice %arg12[%dma_wait3A_248] : memref<262152xf32, #tpu.memory_space<vmem_shared>> -> memref<262152xf32, #tpu.memory_space<vmem_shared>>
        tpu.wait_indirect_dma semaphore(%arg15 : memref<!tpu.dma_semaphore, #tpu.memory_space<semaphore_mem>>) src(%dma_wait3A_244 : memref<128xf32, #tpu.memory_space<vmem>>) dst(%dma_wait3A_249 : memref<262152xf32, #tpu.memory_space<vmem_shared>>)
        %dma_wait3A_250 = arith.constant 4 : i32
        %dma_wait3A_251 = tpu.memref_slice %arg9[%add3A_160] : memref<83200xf32, #tpu.memory_space<vmem>> -> memref<128xf32, #tpu.memory_space<vmem>>
        %dma_wait3A_252 = arith.constant 0 : i32
        %dma_wait3A_253 = tpu.memref_slice %arg8[%dma_wait3A_250, %dma_wait3A_252] : memref<10x128xi32, #tpu.memory_space<vmem>> -> memref<1x128xi32, #tpu.memory_space<vmem>>
        %dma_wait3A_254 = tpu.memref_squeeze %dma_wait3A_253 : memref<1x128xi32, #tpu.memory_space<vmem>> -> memref<128xi32, #tpu.memory_space<vmem>>
        %dma_wait3A_255 = arith.constant 0 : i32
        %dma_wait3A_256 = tpu.memref_slice %arg12[%dma_wait3A_255] : memref<262152xf32, #tpu.memory_space<vmem_shared>> -> memref<262152xf32, #tpu.memory_space<vmem_shared>>
        tpu.wait_indirect_dma semaphore(%arg15 : memref<!tpu.dma_semaphore, #tpu.memory_space<semaphore_mem>>) src(%dma_wait3A_251 : memref<128xf32, #tpu.memory_space<vmem>>) dst(%dma_wait3A_256 : memref<262152xf32, #tpu.memory_space<vmem_shared>>)
        %dma_wait3A_257 = arith.constant 5 : i32
        %dma_wait3A_258 = tpu.memref_slice %arg9[%add3A_171] : memref<83200xf32, #tpu.memory_space<vmem>> -> memref<128xf32, #tpu.memory_space<vmem>>
        %dma_wait3A_259 = arith.constant 0 : i32
        %dma_wait3A_260 = tpu.memref_slice %arg8[%dma_wait3A_257, %dma_wait3A_259] : memref<10x128xi32, #tpu.memory_space<vmem>> -> memref<1x128xi32, #tpu.memory_space<vmem>>
        %dma_wait3A_261 = tpu.memref_squeeze %dma_wait3A_260 : memref<1x128xi32, #tpu.memory_space<vmem>> -> memref<128xi32, #tpu.memory_space<vmem>>
        %dma_wait3A_262 = arith.constant 0 : i32
        %dma_wait3A_263 = tpu.memref_slice %arg12[%dma_wait3A_262] : memref<262152xf32, #tpu.memory_space<vmem_shared>> -> memref<262152xf32, #tpu.memory_space<vmem_shared>>
        tpu.wait_indirect_dma semaphore(%arg15 : memref<!tpu.dma_semaphore, #tpu.memory_space<semaphore_mem>>) src(%dma_wait3A_258 : memref<128xf32, #tpu.memory_space<vmem>>) dst(%dma_wait3A_263 : memref<262152xf32, #tpu.memory_space<vmem_shared>>)
        %dma_wait3A_264 = arith.constant 6 : i32
        %dma_wait3A_265 = tpu.memref_slice %arg9[%add3A_182] : memref<83200xf32, #tpu.memory_space<vmem>> -> memref<128xf32, #tpu.memory_space<vmem>>
        %dma_wait3A_266 = arith.constant 0 : i32
        %dma_wait3A_267 = tpu.memref_slice %arg8[%dma_wait3A_264, %dma_wait3A_266] : memref<10x128xi32, #tpu.memory_space<vmem>> -> memref<1x128xi32, #tpu.memory_space<vmem>>
        %dma_wait3A_268 = tpu.memref_squeeze %dma_wait3A_267 : memref<1x128xi32, #tpu.memory_space<vmem>> -> memref<128xi32, #tpu.memory_space<vmem>>
        %dma_wait3A_269 = arith.constant 0 : i32
        %dma_wait3A_270 = tpu.memref_slice %arg12[%dma_wait3A_269] : memref<262152xf32, #tpu.memory_space<vmem_shared>> -> memref<262152xf32, #tpu.memory_space<vmem_shared>>
        tpu.wait_indirect_dma semaphore(%arg15 : memref<!tpu.dma_semaphore, #tpu.memory_space<semaphore_mem>>) src(%dma_wait3A_265 : memref<128xf32, #tpu.memory_space<vmem>>) dst(%dma_wait3A_270 : memref<262152xf32, #tpu.memory_space<vmem_shared>>)
        %dma_wait3A_271 = arith.constant 7 : i32
        %dma_wait3A_272 = tpu.memref_slice %arg9[%add3A_193] : memref<83200xf32, #tpu.memory_space<vmem>> -> memref<128xf32, #tpu.memory_space<vmem>>
        %dma_wait3A_273 = arith.constant 0 : i32
        %dma_wait3A_274 = tpu.memref_slice %arg8[%dma_wait3A_271, %dma_wait3A_273] : memref<10x128xi32, #tpu.memory_space<vmem>> -> memref<1x128xi32, #tpu.memory_space<vmem>>
        %dma_wait3A_275 = tpu.memref_squeeze %dma_wait3A_274 : memref<1x128xi32, #tpu.memory_space<vmem>> -> memref<128xi32, #tpu.memory_space<vmem>>
        %dma_wait3A_276 = arith.constant 0 : i32
        %dma_wait3A_277 = tpu.memref_slice %arg12[%dma_wait3A_276] : memref<262152xf32, #tpu.memory_space<vmem_shared>> -> memref<262152xf32, #tpu.memory_space<vmem_shared>>
        tpu.wait_indirect_dma semaphore(%arg15 : memref<!tpu.dma_semaphore, #tpu.memory_space<semaphore_mem>>) src(%dma_wait3A_272 : memref<128xf32, #tpu.memory_space<vmem>>) dst(%dma_wait3A_277 : memref<262152xf32, #tpu.memory_space<vmem_shared>>)
        %dma_wait3A_278 = arith.constant 8 : i32
        %dma_wait3A_279 = tpu.memref_slice %arg9[%add3A_204] : memref<83200xf32, #tpu.memory_space<vmem>> -> memref<128xf32, #tpu.memory_space<vmem>>
        %dma_wait3A_280 = arith.constant 0 : i32
        %dma_wait3A_281 = tpu.memref_slice %arg8[%dma_wait3A_278, %dma_wait3A_280] : memref<10x128xi32, #tpu.memory_space<vmem>> -> memref<1x128xi32, #tpu.memory_space<vmem>>
        %dma_wait3A_282 = tpu.memref_squeeze %dma_wait3A_281 : memref<1x128xi32, #tpu.memory_space<vmem>> -> memref<128xi32, #tpu.memory_space<vmem>>
        %dma_wait3A_283 = arith.constant 0 : i32
        %dma_wait3A_284 = tpu.memref_slice %arg12[%dma_wait3A_283] : memref<262152xf32, #tpu.memory_space<vmem_shared>> -> memref<262152xf32, #tpu.memory_space<vmem_shared>>
        tpu.wait_indirect_dma semaphore(%arg15 : memref<!tpu.dma_semaphore, #tpu.memory_space<semaphore_mem>>) src(%dma_wait3A_279 : memref<128xf32, #tpu.memory_space<vmem>>) dst(%dma_wait3A_284 : memref<262152xf32, #tpu.memory_space<vmem_shared>>)
        %dma_wait3A_285 = arith.constant 9 : i32
        %dma_wait3A_286 = tpu.memref_slice %arg9[%add3A_215] : memref<83200xf32, #tpu.memory_space<vmem>> -> memref<128xf32, #tpu.memory_space<vmem>>
        %dma_wait3A_287 = arith.constant 0 : i32
        %dma_wait3A_288 = tpu.memref_slice %arg8[%dma_wait3A_285, %dma_wait3A_287] : memref<10x128xi32, #tpu.memory_space<vmem>> -> memref<1x128xi32, #tpu.memory_space<vmem>>
        %dma_wait3A_289 = tpu.memref_squeeze %dma_wait3A_288 : memref<1x128xi32, #tpu.memory_space<vmem>> -> memref<128xi32, #tpu.memory_space<vmem>>
        %dma_wait3A_290 = arith.constant 0 : i32
        %dma_wait3A_291 = tpu.memref_slice %arg12[%dma_wait3A_290] : memref<262152xf32, #tpu.memory_space<vmem_shared>> -> memref<262152xf32, #tpu.memory_space<vmem_shared>>
        tpu.wait_indirect_dma semaphore(%arg15 : memref<!tpu.dma_semaphore, #tpu.memory_space<semaphore_mem>>) src(%dma_wait3A_286 : memref<128xf32, #tpu.memory_space<vmem>>) dst(%dma_wait3A_291 : memref<262152xf32, #tpu.memory_space<vmem_shared>>)
      } else {
      }
      %eq3A_97 = arith.constant 1 : i32
      %eq3A_98 = arith.cmpi eq, %select_n3A, %eq3A_97 : i32
      %convert_element_type3A_99 = arith.extui %eq3A_98 : i1 to i32
      %cond3A_100 = arith.constant 0 : i32
      %cond3A_101 = arith.cmpi ne, %convert_element_type3A_99, %cond3A_100 : i32
      scf.if %cond3A_101 {
        %mul3A_114 = arith.constant 1280 : i32
        %mul3A_115 = arith.muli %scan3A_76, %mul3A_114 : i32
        %add3A_116 = arith.constant 0 : i32
        %add3A_117 = arith.addi %mul3A_115, %add3A_116 : i32
        %dma_start3A = arith.constant 0 : i32
        %dma_start3A_118 = tpu.memref_slice %arg9[%add3A_117] : memref<83200xf32, #tpu.memory_space<vmem>> -> memref<128xf32, #tpu.memory_space<vmem>>
        %dma_start3A_119 = arith.constant 0 : i32
        %dma_start3A_120 = tpu.memref_slice %arg8[%dma_start3A, %dma_start3A_119] : memref<10x128xi32, #tpu.memory_space<vmem>> -> memref<1x128xi32, #tpu.memory_space<vmem>>
        %dma_start3A_121 = tpu.memref_squeeze %dma_start3A_120 : memref<1x128xi32, #tpu.memory_space<vmem>> -> memref<128xi32, #tpu.memory_space<vmem>>
        %dma_start3A_122 = arith.constant 0 : i32
        %dma_start3A_123 = tpu.memref_slice %arg13[%dma_start3A_122] : memref<262152xf32, #tpu.memory_space<vmem_shared>> -> memref<262152xf32, #tpu.memory_space<vmem_shared>>
        tpu.enqueue_indirect_dma source(%dma_start3A_118 : memref<128xf32, #tpu.memory_space<vmem>>) target(%dma_start3A_123 : memref<262152xf32, #tpu.memory_space<vmem_shared>>) offsets(%dma_start3A_121 : memref<128xi32, #tpu.memory_space<vmem>>) semaphore(%arg15 : memref<!tpu.dma_semaphore, #tpu.memory_space<semaphore_mem>>) {add = true}
        %mul3A_124 = arith.constant 1280 : i32
        %mul3A_125 = arith.muli %scan3A_76, %mul3A_124 : i32
        %add3A_126 = arith.constant 128 : i32
        %add3A_127 = arith.addi %mul3A_125, %add3A_126 : i32
        %dma_start3A_128 = arith.constant 1 : i32
        %dma_start3A_129 = tpu.memref_slice %arg9[%add3A_127] : memref<83200xf32, #tpu.memory_space<vmem>> -> memref<128xf32, #tpu.memory_space<vmem>>
        %dma_start3A_130 = arith.constant 0 : i32
        %dma_start3A_131 = tpu.memref_slice %arg8[%dma_start3A_128, %dma_start3A_130] : memref<10x128xi32, #tpu.memory_space<vmem>> -> memref<1x128xi32, #tpu.memory_space<vmem>>
        %dma_start3A_132 = tpu.memref_squeeze %dma_start3A_131 : memref<1x128xi32, #tpu.memory_space<vmem>> -> memref<128xi32, #tpu.memory_space<vmem>>
        %dma_start3A_133 = arith.constant 0 : i32
        %dma_start3A_134 = tpu.memref_slice %arg13[%dma_start3A_133] : memref<262152xf32, #tpu.memory_space<vmem_shared>> -> memref<262152xf32, #tpu.memory_space<vmem_shared>>
        tpu.enqueue_indirect_dma source(%dma_start3A_129 : memref<128xf32, #tpu.memory_space<vmem>>) target(%dma_start3A_134 : memref<262152xf32, #tpu.memory_space<vmem_shared>>) offsets(%dma_start3A_132 : memref<128xi32, #tpu.memory_space<vmem>>) semaphore(%arg15 : memref<!tpu.dma_semaphore, #tpu.memory_space<semaphore_mem>>) {add = true}
        %mul3A_135 = arith.constant 1280 : i32
        %mul3A_136 = arith.muli %scan3A_76, %mul3A_135 : i32
        %add3A_137 = arith.constant 256 : i32
        %add3A_138 = arith.addi %mul3A_136, %add3A_137 : i32
        %dma_start3A_139 = arith.constant 2 : i32
        %dma_start3A_140 = tpu.memref_slice %arg9[%add3A_138] : memref<83200xf32, #tpu.memory_space<vmem>> -> memref<128xf32, #tpu.memory_space<vmem>>
        %dma_start3A_141 = arith.constant 0 : i32
        %dma_start3A_142 = tpu.memref_slice %arg8[%dma_start3A_139, %dma_start3A_141] : memref<10x128xi32, #tpu.memory_space<vmem>> -> memref<1x128xi32, #tpu.memory_space<vmem>>
        %dma_start3A_143 = tpu.memref_squeeze %dma_start3A_142 : memref<1x128xi32, #tpu.memory_space<vmem>> -> memref<128xi32, #tpu.memory_space<vmem>>
        %dma_start3A_144 = arith.constant 0 : i32
        %dma_start3A_145 = tpu.memref_slice %arg13[%dma_start3A_144] : memref<262152xf32, #tpu.memory_space<vmem_shared>> -> memref<262152xf32, #tpu.memory_space<vmem_shared>>
        tpu.enqueue_indirect_dma source(%dma_start3A_140 : memref<128xf32, #tpu.memory_space<vmem>>) target(%dma_start3A_145 : memref<262152xf32, #tpu.memory_space<vmem_shared>>) offsets(%dma_start3A_143 : memref<128xi32, #tpu.memory_space<vmem>>) semaphore(%arg15 : memref<!tpu.dma_semaphore, #tpu.memory_space<semaphore_mem>>) {add = true}
        %mul3A_146 = arith.constant 1280 : i32
        %mul3A_147 = arith.muli %scan3A_76, %mul3A_146 : i32
        %add3A_148 = arith.constant 384 : i32
        %add3A_149 = arith.addi %mul3A_147, %add3A_148 : i32
        %dma_start3A_150 = arith.constant 3 : i32
        %dma_start3A_151 = tpu.memref_slice %arg9[%add3A_149] : memref<83200xf32, #tpu.memory_space<vmem>> -> memref<128xf32, #tpu.memory_space<vmem>>
        %dma_start3A_152 = arith.constant 0 : i32
        %dma_start3A_153 = tpu.memref_slice %arg8[%dma_start3A_150, %dma_start3A_152] : memref<10x128xi32, #tpu.memory_space<vmem>> -> memref<1x128xi32, #tpu.memory_space<vmem>>
        %dma_start3A_154 = tpu.memref_squeeze %dma_start3A_153 : memref<1x128xi32, #tpu.memory_space<vmem>> -> memref<128xi32, #tpu.memory_space<vmem>>
        %dma_start3A_155 = arith.constant 0 : i32
        %dma_start3A_156 = tpu.memref_slice %arg13[%dma_start3A_155] : memref<262152xf32, #tpu.memory_space<vmem_shared>> -> memref<262152xf32, #tpu.memory_space<vmem_shared>>
        tpu.enqueue_indirect_dma source(%dma_start3A_151 : memref<128xf32, #tpu.memory_space<vmem>>) target(%dma_start3A_156 : memref<262152xf32, #tpu.memory_space<vmem_shared>>) offsets(%dma_start3A_154 : memref<128xi32, #tpu.memory_space<vmem>>) semaphore(%arg15 : memref<!tpu.dma_semaphore, #tpu.memory_space<semaphore_mem>>) {add = true}
        %mul3A_157 = arith.constant 1280 : i32
        %mul3A_158 = arith.muli %scan3A_76, %mul3A_157 : i32
        %add3A_159 = arith.constant 512 : i32
        %add3A_160 = arith.addi %mul3A_158, %add3A_159 : i32
        %dma_start3A_161 = arith.constant 4 : i32
        %dma_start3A_162 = tpu.memref_slice %arg9[%add3A_160] : memref<83200xf32, #tpu.memory_space<vmem>> -> memref<128xf32, #tpu.memory_space<vmem>>
        %dma_start3A_163 = arith.constant 0 : i32
        %dma_start3A_164 = tpu.memref_slice %arg8[%dma_start3A_161, %dma_start3A_163] : memref<10x128xi32, #tpu.memory_space<vmem>> -> memref<1x128xi32, #tpu.memory_space<vmem>>
        %dma_start3A_165 = tpu.memref_squeeze %dma_start3A_164 : memref<1x128xi32, #tpu.memory_space<vmem>> -> memref<128xi32, #tpu.memory_space<vmem>>
        %dma_start3A_166 = arith.constant 0 : i32
        %dma_start3A_167 = tpu.memref_slice %arg13[%dma_start3A_166] : memref<262152xf32, #tpu.memory_space<vmem_shared>> -> memref<262152xf32, #tpu.memory_space<vmem_shared>>
        tpu.enqueue_indirect_dma source(%dma_start3A_162 : memref<128xf32, #tpu.memory_space<vmem>>) target(%dma_start3A_167 : memref<262152xf32, #tpu.memory_space<vmem_shared>>) offsets(%dma_start3A_165 : memref<128xi32, #tpu.memory_space<vmem>>) semaphore(%arg15 : memref<!tpu.dma_semaphore, #tpu.memory_space<semaphore_mem>>) {add = true}
        %mul3A_168 = arith.constant 1280 : i32
        %mul3A_169 = arith.muli %scan3A_76, %mul3A_168 : i32
        %add3A_170 = arith.constant 640 : i32
        %add3A_171 = arith.addi %mul3A_169, %add3A_170 : i32
        %dma_start3A_172 = arith.constant 5 : i32
        %dma_start3A_173 = tpu.memref_slice %arg9[%add3A_171] : memref<83200xf32, #tpu.memory_space<vmem>> -> memref<128xf32, #tpu.memory_space<vmem>>
        %dma_start3A_174 = arith.constant 0 : i32
        %dma_start3A_175 = tpu.memref_slice %arg8[%dma_start3A_172, %dma_start3A_174] : memref<10x128xi32, #tpu.memory_space<vmem>> -> memref<1x128xi32, #tpu.memory_space<vmem>>
        %dma_start3A_176 = tpu.memref_squeeze %dma_start3A_175 : memref<1x128xi32, #tpu.memory_space<vmem>> -> memref<128xi32, #tpu.memory_space<vmem>>
        %dma_start3A_177 = arith.constant 0 : i32
        %dma_start3A_178 = tpu.memref_slice %arg13[%dma_start3A_177] : memref<262152xf32, #tpu.memory_space<vmem_shared>> -> memref<262152xf32, #tpu.memory_space<vmem_shared>>
        tpu.enqueue_indirect_dma source(%dma_start3A_173 : memref<128xf32, #tpu.memory_space<vmem>>) target(%dma_start3A_178 : memref<262152xf32, #tpu.memory_space<vmem_shared>>) offsets(%dma_start3A_176 : memref<128xi32, #tpu.memory_space<vmem>>) semaphore(%arg15 : memref<!tpu.dma_semaphore, #tpu.memory_space<semaphore_mem>>) {add = true}
        %mul3A_179 = arith.constant 1280 : i32
        %mul3A_180 = arith.muli %scan3A_76, %mul3A_179 : i32
        %add3A_181 = arith.constant 768 : i32
        %add3A_182 = arith.addi %mul3A_180, %add3A_181 : i32
        %dma_start3A_183 = arith.constant 6 : i32
        %dma_start3A_184 = tpu.memref_slice %arg9[%add3A_182] : memref<83200xf32, #tpu.memory_space<vmem>> -> memref<128xf32, #tpu.memory_space<vmem>>
        %dma_start3A_185 = arith.constant 0 : i32
        %dma_start3A_186 = tpu.memref_slice %arg8[%dma_start3A_183, %dma_start3A_185] : memref<10x128xi32, #tpu.memory_space<vmem>> -> memref<1x128xi32, #tpu.memory_space<vmem>>
        %dma_start3A_187 = tpu.memref_squeeze %dma_start3A_186 : memref<1x128xi32, #tpu.memory_space<vmem>> -> memref<128xi32, #tpu.memory_space<vmem>>
        %dma_start3A_188 = arith.constant 0 : i32
        %dma_start3A_189 = tpu.memref_slice %arg13[%dma_start3A_188] : memref<262152xf32, #tpu.memory_space<vmem_shared>> -> memref<262152xf32, #tpu.memory_space<vmem_shared>>
        tpu.enqueue_indirect_dma source(%dma_start3A_184 : memref<128xf32, #tpu.memory_space<vmem>>) target(%dma_start3A_189 : memref<262152xf32, #tpu.memory_space<vmem_shared>>) offsets(%dma_start3A_187 : memref<128xi32, #tpu.memory_space<vmem>>) semaphore(%arg15 : memref<!tpu.dma_semaphore, #tpu.memory_space<semaphore_mem>>) {add = true}
        %mul3A_190 = arith.constant 1280 : i32
        %mul3A_191 = arith.muli %scan3A_76, %mul3A_190 : i32
        %add3A_192 = arith.constant 896 : i32
        %add3A_193 = arith.addi %mul3A_191, %add3A_192 : i32
        %dma_start3A_194 = arith.constant 7 : i32
        %dma_start3A_195 = tpu.memref_slice %arg9[%add3A_193] : memref<83200xf32, #tpu.memory_space<vmem>> -> memref<128xf32, #tpu.memory_space<vmem>>
        %dma_start3A_196 = arith.constant 0 : i32
        %dma_start3A_197 = tpu.memref_slice %arg8[%dma_start3A_194, %dma_start3A_196] : memref<10x128xi32, #tpu.memory_space<vmem>> -> memref<1x128xi32, #tpu.memory_space<vmem>>
        %dma_start3A_198 = tpu.memref_squeeze %dma_start3A_197 : memref<1x128xi32, #tpu.memory_space<vmem>> -> memref<128xi32, #tpu.memory_space<vmem>>
        %dma_start3A_199 = arith.constant 0 : i32
        %dma_start3A_200 = tpu.memref_slice %arg13[%dma_start3A_199] : memref<262152xf32, #tpu.memory_space<vmem_shared>> -> memref<262152xf32, #tpu.memory_space<vmem_shared>>
        tpu.enqueue_indirect_dma source(%dma_start3A_195 : memref<128xf32, #tpu.memory_space<vmem>>) target(%dma_start3A_200 : memref<262152xf32, #tpu.memory_space<vmem_shared>>) offsets(%dma_start3A_198 : memref<128xi32, #tpu.memory_space<vmem>>) semaphore(%arg15 : memref<!tpu.dma_semaphore, #tpu.memory_space<semaphore_mem>>) {add = true}
        %mul3A_201 = arith.constant 1280 : i32
        %mul3A_202 = arith.muli %scan3A_76, %mul3A_201 : i32
        %add3A_203 = arith.constant 1024 : i32
        %add3A_204 = arith.addi %mul3A_202, %add3A_203 : i32
        %dma_start3A_205 = arith.constant 8 : i32
        %dma_start3A_206 = tpu.memref_slice %arg9[%add3A_204] : memref<83200xf32, #tpu.memory_space<vmem>> -> memref<128xf32, #tpu.memory_space<vmem>>
        %dma_start3A_207 = arith.constant 0 : i32
        %dma_start3A_208 = tpu.memref_slice %arg8[%dma_start3A_205, %dma_start3A_207] : memref<10x128xi32, #tpu.memory_space<vmem>> -> memref<1x128xi32, #tpu.memory_space<vmem>>
        %dma_start3A_209 = tpu.memref_squeeze %dma_start3A_208 : memref<1x128xi32, #tpu.memory_space<vmem>> -> memref<128xi32, #tpu.memory_space<vmem>>
        %dma_start3A_210 = arith.constant 0 : i32
        %dma_start3A_211 = tpu.memref_slice %arg13[%dma_start3A_210] : memref<262152xf32, #tpu.memory_space<vmem_shared>> -> memref<262152xf32, #tpu.memory_space<vmem_shared>>
        tpu.enqueue_indirect_dma source(%dma_start3A_206 : memref<128xf32, #tpu.memory_space<vmem>>) target(%dma_start3A_211 : memref<262152xf32, #tpu.memory_space<vmem_shared>>) offsets(%dma_start3A_209 : memref<128xi32, #tpu.memory_space<vmem>>) semaphore(%arg15 : memref<!tpu.dma_semaphore, #tpu.memory_space<semaphore_mem>>) {add = true}
        %mul3A_212 = arith.constant 1280 : i32
        %mul3A_213 = arith.muli %scan3A_76, %mul3A_212 : i32
        %add3A_214 = arith.constant 1152 : i32
        %add3A_215 = arith.addi %mul3A_213, %add3A_214 : i32
        %dma_start3A_216 = arith.constant 9 : i32
        %dma_start3A_217 = tpu.memref_slice %arg9[%add3A_215] : memref<83200xf32, #tpu.memory_space<vmem>> -> memref<128xf32, #tpu.memory_space<vmem>>
        %dma_start3A_218 = arith.constant 0 : i32
        %dma_start3A_219 = tpu.memref_slice %arg8[%dma_start3A_216, %dma_start3A_218] : memref<10x128xi32, #tpu.memory_space<vmem>> -> memref<1x128xi32, #tpu.memory_space<vmem>>
        %dma_start3A_220 = tpu.memref_squeeze %dma_start3A_219 : memref<1x128xi32, #tpu.memory_space<vmem>> -> memref<128xi32, #tpu.memory_space<vmem>>
        %dma_start3A_221 = arith.constant 0 : i32
        %dma_start3A_222 = tpu.memref_slice %arg13[%dma_start3A_221] : memref<262152xf32, #tpu.memory_space<vmem_shared>> -> memref<262152xf32, #tpu.memory_space<vmem_shared>>
        tpu.enqueue_indirect_dma source(%dma_start3A_217 : memref<128xf32, #tpu.memory_space<vmem>>) target(%dma_start3A_222 : memref<262152xf32, #tpu.memory_space<vmem_shared>>) offsets(%dma_start3A_220 : memref<128xi32, #tpu.memory_space<vmem>>) semaphore(%arg15 : memref<!tpu.dma_semaphore, #tpu.memory_space<semaphore_mem>>) {add = true}
        %dma_wait3A = arith.constant 0 : i32
        %dma_wait3A_223 = tpu.memref_slice %arg9[%add3A_117] : memref<83200xf32, #tpu.memory_space<vmem>> -> memref<128xf32, #tpu.memory_space<vmem>>
        %dma_wait3A_224 = arith.constant 0 : i32
        %dma_wait3A_225 = tpu.memref_slice %arg8[%dma_wait3A, %dma_wait3A_224] : memref<10x128xi32, #tpu.memory_space<vmem>> -> memref<1x128xi32, #tpu.memory_space<vmem>>
        %dma_wait3A_226 = tpu.memref_squeeze %dma_wait3A_225 : memref<1x128xi32, #tpu.memory_space<vmem>> -> memref<128xi32, #tpu.memory_space<vmem>>
        %dma_wait3A_227 = arith.constant 0 : i32
        %dma_wait3A_228 = tpu.memref_slice %arg13[%dma_wait3A_227] : memref<262152xf32, #tpu.memory_space<vmem_shared>> -> memref<262152xf32, #tpu.memory_space<vmem_shared>>
        tpu.wait_indirect_dma semaphore(%arg15 : memref<!tpu.dma_semaphore, #tpu.memory_space<semaphore_mem>>) src(%dma_wait3A_223 : memref<128xf32, #tpu.memory_space<vmem>>) dst(%dma_wait3A_228 : memref<262152xf32, #tpu.memory_space<vmem_shared>>)
        %dma_wait3A_229 = arith.constant 1 : i32
        %dma_wait3A_230 = tpu.memref_slice %arg9[%add3A_127] : memref<83200xf32, #tpu.memory_space<vmem>> -> memref<128xf32, #tpu.memory_space<vmem>>
        %dma_wait3A_231 = arith.constant 0 : i32
        %dma_wait3A_232 = tpu.memref_slice %arg8[%dma_wait3A_229, %dma_wait3A_231] : memref<10x128xi32, #tpu.memory_space<vmem>> -> memref<1x128xi32, #tpu.memory_space<vmem>>
        %dma_wait3A_233 = tpu.memref_squeeze %dma_wait3A_232 : memref<1x128xi32, #tpu.memory_space<vmem>> -> memref<128xi32, #tpu.memory_space<vmem>>
        %dma_wait3A_234 = arith.constant 0 : i32
        %dma_wait3A_235 = tpu.memref_slice %arg13[%dma_wait3A_234] : memref<262152xf32, #tpu.memory_space<vmem_shared>> -> memref<262152xf32, #tpu.memory_space<vmem_shared>>
        tpu.wait_indirect_dma semaphore(%arg15 : memref<!tpu.dma_semaphore, #tpu.memory_space<semaphore_mem>>) src(%dma_wait3A_230 : memref<128xf32, #tpu.memory_space<vmem>>) dst(%dma_wait3A_235 : memref<262152xf32, #tpu.memory_space<vmem_shared>>)
        %dma_wait3A_236 = arith.constant 2 : i32
        %dma_wait3A_237 = tpu.memref_slice %arg9[%add3A_138] : memref<83200xf32, #tpu.memory_space<vmem>> -> memref<128xf32, #tpu.memory_space<vmem>>
        %dma_wait3A_238 = arith.constant 0 : i32
        %dma_wait3A_239 = tpu.memref_slice %arg8[%dma_wait3A_236, %dma_wait3A_238] : memref<10x128xi32, #tpu.memory_space<vmem>> -> memref<1x128xi32, #tpu.memory_space<vmem>>
        %dma_wait3A_240 = tpu.memref_squeeze %dma_wait3A_239 : memref<1x128xi32, #tpu.memory_space<vmem>> -> memref<128xi32, #tpu.memory_space<vmem>>
        %dma_wait3A_241 = arith.constant 0 : i32
        %dma_wait3A_242 = tpu.memref_slice %arg13[%dma_wait3A_241] : memref<262152xf32, #tpu.memory_space<vmem_shared>> -> memref<262152xf32, #tpu.memory_space<vmem_shared>>
        tpu.wait_indirect_dma semaphore(%arg15 : memref<!tpu.dma_semaphore, #tpu.memory_space<semaphore_mem>>) src(%dma_wait3A_237 : memref<128xf32, #tpu.memory_space<vmem>>) dst(%dma_wait3A_242 : memref<262152xf32, #tpu.memory_space<vmem_shared>>)
        %dma_wait3A_243 = arith.constant 3 : i32
        %dma_wait3A_244 = tpu.memref_slice %arg9[%add3A_149] : memref<83200xf32, #tpu.memory_space<vmem>> -> memref<128xf32, #tpu.memory_space<vmem>>
        %dma_wait3A_245 = arith.constant 0 : i32
        %dma_wait3A_246 = tpu.memref_slice %arg8[%dma_wait3A_243, %dma_wait3A_245] : memref<10x128xi32, #tpu.memory_space<vmem>> -> memref<1x128xi32, #tpu.memory_space<vmem>>
        %dma_wait3A_247 = tpu.memref_squeeze %dma_wait3A_246 : memref<1x128xi32, #tpu.memory_space<vmem>> -> memref<128xi32, #tpu.memory_space<vmem>>
        %dma_wait3A_248 = arith.constant 0 : i32
        %dma_wait3A_249 = tpu.memref_slice %arg13[%dma_wait3A_248] : memref<262152xf32, #tpu.memory_space<vmem_shared>> -> memref<262152xf32, #tpu.memory_space<vmem_shared>>
        tpu.wait_indirect_dma semaphore(%arg15 : memref<!tpu.dma_semaphore, #tpu.memory_space<semaphore_mem>>) src(%dma_wait3A_244 : memref<128xf32, #tpu.memory_space<vmem>>) dst(%dma_wait3A_249 : memref<262152xf32, #tpu.memory_space<vmem_shared>>)
        %dma_wait3A_250 = arith.constant 4 : i32
        %dma_wait3A_251 = tpu.memref_slice %arg9[%add3A_160] : memref<83200xf32, #tpu.memory_space<vmem>> -> memref<128xf32, #tpu.memory_space<vmem>>
        %dma_wait3A_252 = arith.constant 0 : i32
        %dma_wait3A_253 = tpu.memref_slice %arg8[%dma_wait3A_250, %dma_wait3A_252] : memref<10x128xi32, #tpu.memory_space<vmem>> -> memref<1x128xi32, #tpu.memory_space<vmem>>
        %dma_wait3A_254 = tpu.memref_squeeze %dma_wait3A_253 : memref<1x128xi32, #tpu.memory_space<vmem>> -> memref<128xi32, #tpu.memory_space<vmem>>
        %dma_wait3A_255 = arith.constant 0 : i32
        %dma_wait3A_256 = tpu.memref_slice %arg13[%dma_wait3A_255] : memref<262152xf32, #tpu.memory_space<vmem_shared>> -> memref<262152xf32, #tpu.memory_space<vmem_shared>>
        tpu.wait_indirect_dma semaphore(%arg15 : memref<!tpu.dma_semaphore, #tpu.memory_space<semaphore_mem>>) src(%dma_wait3A_251 : memref<128xf32, #tpu.memory_space<vmem>>) dst(%dma_wait3A_256 : memref<262152xf32, #tpu.memory_space<vmem_shared>>)
        %dma_wait3A_257 = arith.constant 5 : i32
        %dma_wait3A_258 = tpu.memref_slice %arg9[%add3A_171] : memref<83200xf32, #tpu.memory_space<vmem>> -> memref<128xf32, #tpu.memory_space<vmem>>
        %dma_wait3A_259 = arith.constant 0 : i32
        %dma_wait3A_260 = tpu.memref_slice %arg8[%dma_wait3A_257, %dma_wait3A_259] : memref<10x128xi32, #tpu.memory_space<vmem>> -> memref<1x128xi32, #tpu.memory_space<vmem>>
        %dma_wait3A_261 = tpu.memref_squeeze %dma_wait3A_260 : memref<1x128xi32, #tpu.memory_space<vmem>> -> memref<128xi32, #tpu.memory_space<vmem>>
        %dma_wait3A_262 = arith.constant 0 : i32
        %dma_wait3A_263 = tpu.memref_slice %arg13[%dma_wait3A_262] : memref<262152xf32, #tpu.memory_space<vmem_shared>> -> memref<262152xf32, #tpu.memory_space<vmem_shared>>
        tpu.wait_indirect_dma semaphore(%arg15 : memref<!tpu.dma_semaphore, #tpu.memory_space<semaphore_mem>>) src(%dma_wait3A_258 : memref<128xf32, #tpu.memory_space<vmem>>) dst(%dma_wait3A_263 : memref<262152xf32, #tpu.memory_space<vmem_shared>>)
        %dma_wait3A_264 = arith.constant 6 : i32
        %dma_wait3A_265 = tpu.memref_slice %arg9[%add3A_182] : memref<83200xf32, #tpu.memory_space<vmem>> -> memref<128xf32, #tpu.memory_space<vmem>>
        %dma_wait3A_266 = arith.constant 0 : i32
        %dma_wait3A_267 = tpu.memref_slice %arg8[%dma_wait3A_264, %dma_wait3A_266] : memref<10x128xi32, #tpu.memory_space<vmem>> -> memref<1x128xi32, #tpu.memory_space<vmem>>
        %dma_wait3A_268 = tpu.memref_squeeze %dma_wait3A_267 : memref<1x128xi32, #tpu.memory_space<vmem>> -> memref<128xi32, #tpu.memory_space<vmem>>
        %dma_wait3A_269 = arith.constant 0 : i32
        %dma_wait3A_270 = tpu.memref_slice %arg13[%dma_wait3A_269] : memref<262152xf32, #tpu.memory_space<vmem_shared>> -> memref<262152xf32, #tpu.memory_space<vmem_shared>>
        tpu.wait_indirect_dma semaphore(%arg15 : memref<!tpu.dma_semaphore, #tpu.memory_space<semaphore_mem>>) src(%dma_wait3A_265 : memref<128xf32, #tpu.memory_space<vmem>>) dst(%dma_wait3A_270 : memref<262152xf32, #tpu.memory_space<vmem_shared>>)
        %dma_wait3A_271 = arith.constant 7 : i32
        %dma_wait3A_272 = tpu.memref_slice %arg9[%add3A_193] : memref<83200xf32, #tpu.memory_space<vmem>> -> memref<128xf32, #tpu.memory_space<vmem>>
        %dma_wait3A_273 = arith.constant 0 : i32
        %dma_wait3A_274 = tpu.memref_slice %arg8[%dma_wait3A_271, %dma_wait3A_273] : memref<10x128xi32, #tpu.memory_space<vmem>> -> memref<1x128xi32, #tpu.memory_space<vmem>>
        %dma_wait3A_275 = tpu.memref_squeeze %dma_wait3A_274 : memref<1x128xi32, #tpu.memory_space<vmem>> -> memref<128xi32, #tpu.memory_space<vmem>>
        %dma_wait3A_276 = arith.constant 0 : i32
        %dma_wait3A_277 = tpu.memref_slice %arg13[%dma_wait3A_276] : memref<262152xf32, #tpu.memory_space<vmem_shared>> -> memref<262152xf32, #tpu.memory_space<vmem_shared>>
        tpu.wait_indirect_dma semaphore(%arg15 : memref<!tpu.dma_semaphore, #tpu.memory_space<semaphore_mem>>) src(%dma_wait3A_272 : memref<128xf32, #tpu.memory_space<vmem>>) dst(%dma_wait3A_277 : memref<262152xf32, #tpu.memory_space<vmem_shared>>)
        %dma_wait3A_278 = arith.constant 8 : i32
        %dma_wait3A_279 = tpu.memref_slice %arg9[%add3A_204] : memref<83200xf32, #tpu.memory_space<vmem>> -> memref<128xf32, #tpu.memory_space<vmem>>
        %dma_wait3A_280 = arith.constant 0 : i32
        %dma_wait3A_281 = tpu.memref_slice %arg8[%dma_wait3A_278, %dma_wait3A_280] : memref<10x128xi32, #tpu.memory_space<vmem>> -> memref<1x128xi32, #tpu.memory_space<vmem>>
        %dma_wait3A_282 = tpu.memref_squeeze %dma_wait3A_281 : memref<1x128xi32, #tpu.memory_space<vmem>> -> memref<128xi32, #tpu.memory_space<vmem>>
        %dma_wait3A_283 = arith.constant 0 : i32
        %dma_wait3A_284 = tpu.memref_slice %arg13[%dma_wait3A_283] : memref<262152xf32, #tpu.memory_space<vmem_shared>> -> memref<262152xf32, #tpu.memory_space<vmem_shared>>
        tpu.wait_indirect_dma semaphore(%arg15 : memref<!tpu.dma_semaphore, #tpu.memory_space<semaphore_mem>>) src(%dma_wait3A_279 : memref<128xf32, #tpu.memory_space<vmem>>) dst(%dma_wait3A_284 : memref<262152xf32, #tpu.memory_space<vmem_shared>>)
        %dma_wait3A_285 = arith.constant 9 : i32
        %dma_wait3A_286 = tpu.memref_slice %arg9[%add3A_215] : memref<83200xf32, #tpu.memory_space<vmem>> -> memref<128xf32, #tpu.memory_space<vmem>>
        %dma_wait3A_287 = arith.constant 0 : i32
        %dma_wait3A_288 = tpu.memref_slice %arg8[%dma_wait3A_285, %dma_wait3A_287] : memref<10x128xi32, #tpu.memory_space<vmem>> -> memref<1x128xi32, #tpu.memory_space<vmem>>
        %dma_wait3A_289 = tpu.memref_squeeze %dma_wait3A_288 : memref<1x128xi32, #tpu.memory_space<vmem>> -> memref<128xi32, #tpu.memory_space<vmem>>
        %dma_wait3A_290 = arith.constant 0 : i32
        %dma_wait3A_291 = tpu.memref_slice %arg13[%dma_wait3A_290] : memref<262152xf32, #tpu.memory_space<vmem_shared>> -> memref<262152xf32, #tpu.memory_space<vmem_shared>>
        tpu.wait_indirect_dma semaphore(%arg15 : memref<!tpu.dma_semaphore, #tpu.memory_space<semaphore_mem>>) src(%dma_wait3A_286 : memref<128xf32, #tpu.memory_space<vmem>>) dst(%dma_wait3A_291 : memref<262152xf32, #tpu.memory_space<vmem_shared>>)
      } else {
      }
      %barrier3A_102 = arith.constant 0 : index
      tpu.barrier barrier_id(%barrier3A_102)
      %eq3A_103 = arith.constant 0 : i32
      %eq3A_104 = arith.cmpi eq, %select_n3A, %eq3A_103 : i32
      %convert_element_type3A_105 = arith.extui %eq3A_104 : i1 to i32
      %cond3A_106 = arith.constant 0 : i32
      %cond3A_107 = arith.cmpi ne, %convert_element_type3A_105, %cond3A_106 : i32
      scf.if %cond3A_107 {
        %lt3A_114 = arith.constant 64 : i32
        %lt3A_115 = arith.cmpi slt, %scan3A_76, %lt3A_114 : i32
        %convert_element_type3A_116 = arith.extui %lt3A_115 : i1 to i32
        %cond3A_117 = arith.constant 0 : i32
        %cond3A_118 = arith.cmpi ne, %convert_element_type3A_116, %cond3A_117 : i32
        scf.if %cond3A_118 {
          %mul3A_124 = arith.constant 64 : i32
          %mul3A_125 = arith.muli %add3A_30, %mul3A_124 : i32
          %add3A_126 = arith.addi %mul3A_125, %scan3A_76 : i32
          %mul3A_127 = arith.constant 262144 : i32
          %mul3A_128 = arith.muli %add3A_126, %mul3A_127 : i32
          %mul3A_129 = arith.constant 32768 : i32
          %mul3A_130 = arith.muli %select_n3A_28, %mul3A_129 : i32
          %add3A_131 = arith.addi %mul3A_128, %mul3A_130 : i32
          %dma_start3A = tpu.memref_slice %arg5[%add3A_131] : memref<67108864xf32, #tpu.memory_space<hbm>> -> memref<32768xf32, #tpu.memory_space<hbm>>
          %dma_start3A_132 = tpu.memref_slice %arg12[%mul3A_60] : memref<262152xf32, #tpu.memory_space<vmem_shared>> -> memref<32768xf32, #tpu.memory_space<vmem_shared>>
          tpu.enqueue_dma source(%dma_start3A_132 : memref<32768xf32, #tpu.memory_space<vmem_shared>>) target(%dma_start3A : memref<32768xf32, #tpu.memory_space<hbm>>) target_semaphore(%arg14 : memref<!tpu.dma_semaphore, #tpu.memory_space<semaphore_mem>>)
        } else {
        }
        %ge3A_119 = arith.constant 64 : i32
        %ge3A_120 = arith.cmpi sge, %scan3A_76, %ge3A_119 : i32
        %convert_element_type3A_121 = arith.extui %ge3A_120 : i1 to i32
        %cond3A_122 = arith.constant 0 : i32
        %cond3A_123 = arith.cmpi ne, %convert_element_type3A_121, %cond3A_122 : i32
        scf.if %cond3A_123 {
          %mul3A_124 = arith.constant 262144 : i32
          %mul3A_125 = arith.muli %add3A_30, %mul3A_124 : i32
          %mul3A_126 = arith.constant 32768 : i32
          %mul3A_127 = arith.muli %select_n3A_28, %mul3A_126 : i32
          %add3A_128 = arith.addi %mul3A_125, %mul3A_127 : i32
          %dma_start3A = tpu.memref_slice %arg6[%add3A_128] : memref<1048576xf32, #tpu.memory_space<hbm>> -> memref<32768xf32, #tpu.memory_space<hbm>>
          %dma_start3A_129 = tpu.memref_slice %arg12[%mul3A_60] : memref<262152xf32, #tpu.memory_space<vmem_shared>> -> memref<32768xf32, #tpu.memory_space<vmem_shared>>
          tpu.enqueue_dma source(%dma_start3A_129 : memref<32768xf32, #tpu.memory_space<vmem_shared>>) target(%dma_start3A : memref<32768xf32, #tpu.memory_space<hbm>>) target_semaphore(%arg14 : memref<!tpu.dma_semaphore, #tpu.memory_space<semaphore_mem>>)
        } else {
        }
      } else {
      }
      %eq3A_108 = arith.constant 1 : i32
      %eq3A_109 = arith.cmpi eq, %select_n3A, %eq3A_108 : i32
      %convert_element_type3A_110 = arith.extui %eq3A_109 : i1 to i32
      %cond3A_111 = arith.constant 0 : i32
      %cond3A_112 = arith.cmpi ne, %convert_element_type3A_110, %cond3A_111 : i32
      scf.if %cond3A_112 {
        %lt3A_114 = arith.constant 64 : i32
        %lt3A_115 = arith.cmpi slt, %scan3A_76, %lt3A_114 : i32
        %convert_element_type3A_116 = arith.extui %lt3A_115 : i1 to i32
        %cond3A_117 = arith.constant 0 : i32
        %cond3A_118 = arith.cmpi ne, %convert_element_type3A_116, %cond3A_117 : i32
        scf.if %cond3A_118 {
          %mul3A_124 = arith.constant 64 : i32
          %mul3A_125 = arith.muli %add3A_30, %mul3A_124 : i32
          %add3A_126 = arith.addi %mul3A_125, %scan3A_76 : i32
          %mul3A_127 = arith.constant 262144 : i32
          %mul3A_128 = arith.muli %add3A_126, %mul3A_127 : i32
          %mul3A_129 = arith.constant 32768 : i32
          %mul3A_130 = arith.muli %select_n3A_28, %mul3A_129 : i32
          %add3A_131 = arith.addi %mul3A_128, %mul3A_130 : i32
          %dma_start3A = tpu.memref_slice %arg5[%add3A_131] : memref<67108864xf32, #tpu.memory_space<hbm>> -> memref<32768xf32, #tpu.memory_space<hbm>>
          %dma_start3A_132 = tpu.memref_slice %arg13[%mul3A_60] : memref<262152xf32, #tpu.memory_space<vmem_shared>> -> memref<32768xf32, #tpu.memory_space<vmem_shared>>
          tpu.enqueue_dma source(%dma_start3A_132 : memref<32768xf32, #tpu.memory_space<vmem_shared>>) target(%dma_start3A : memref<32768xf32, #tpu.memory_space<hbm>>) target_semaphore(%arg14 : memref<!tpu.dma_semaphore, #tpu.memory_space<semaphore_mem>>)
        } else {
        }
        %ge3A_119 = arith.constant 64 : i32
        %ge3A_120 = arith.cmpi sge, %scan3A_76, %ge3A_119 : i32
        %convert_element_type3A_121 = arith.extui %ge3A_120 : i1 to i32
        %cond3A_122 = arith.constant 0 : i32
        %cond3A_123 = arith.cmpi ne, %convert_element_type3A_121, %cond3A_122 : i32
        scf.if %cond3A_123 {
          %mul3A_124 = arith.constant 262144 : i32
          %mul3A_125 = arith.muli %add3A_30, %mul3A_124 : i32
          %mul3A_126 = arith.constant 32768 : i32
          %mul3A_127 = arith.muli %select_n3A_28, %mul3A_126 : i32
          %add3A_128 = arith.addi %mul3A_125, %mul3A_127 : i32
          %dma_start3A = tpu.memref_slice %arg6[%add3A_128] : memref<1048576xf32, #tpu.memory_space<hbm>> -> memref<32768xf32, #tpu.memory_space<hbm>>
          %dma_start3A_129 = tpu.memref_slice %arg13[%mul3A_60] : memref<262152xf32, #tpu.memory_space<vmem_shared>> -> memref<32768xf32, #tpu.memory_space<vmem_shared>>
          tpu.enqueue_dma source(%dma_start3A_129 : memref<32768xf32, #tpu.memory_space<vmem_shared>>) target(%dma_start3A : memref<32768xf32, #tpu.memory_space<hbm>>) target_semaphore(%arg14 : memref<!tpu.dma_semaphore, #tpu.memory_space<semaphore_mem>>)
        } else {
        }
      } else {
      }
      %scan3A_113 = arith.constant 0 : i32
      scf.yield %scan3A_113 : i32
    }
    %scan3A_67 = arith.constant 65 : i32
    %eq3A_68 = arith.constant 0 : i32
    %eq3A_69 = arith.cmpi eq, %select_n3A, %eq3A_68 : i32
    %convert_element_type3A = arith.extui %eq3A_69 : i1 to i32
    %cond3A = arith.constant 0 : i32
    %cond3A_70 = arith.cmpi ne, %convert_element_type3A, %cond3A : i32
    scf.if %cond3A_70 {
      %mul3A_76 = arith.constant 32768 : i32
      %mul3A_77 = arith.muli %select_n3A_28, %mul3A_76 : i32
      %dma_wait3A = tpu.memref_slice %arg5[%mul3A_77] : memref<67108864xf32, #tpu.memory_space<hbm>> -> memref<32768xf32, #tpu.memory_space<hbm>>
      %dma_wait3A_78 = tpu.memref_slice %arg12[%mul3A_60] : memref<262152xf32, #tpu.memory_space<vmem_shared>> -> memref<32768xf32, #tpu.memory_space<vmem_shared>>
      tpu.wait_dma2 semaphore(%arg14 : memref<!tpu.dma_semaphore, #tpu.memory_space<semaphore_mem>>) src(%dma_wait3A_78 : memref<32768xf32, #tpu.memory_space<vmem_shared>>) dst(%dma_wait3A : memref<32768xf32, #tpu.memory_space<hbm>>)
    } else {
    }
    %eq3A_71 = arith.constant 1 : i32
    %eq3A_72 = arith.cmpi eq, %select_n3A, %eq3A_71 : i32
    %convert_element_type3A_73 = arith.extui %eq3A_72 : i1 to i32
    %cond3A_74 = arith.constant 0 : i32
    %cond3A_75 = arith.cmpi ne, %convert_element_type3A_73, %cond3A_74 : i32
    scf.if %cond3A_75 {
      %mul3A_76 = arith.constant 32768 : i32
      %mul3A_77 = arith.muli %select_n3A_28, %mul3A_76 : i32
      %dma_wait3A = tpu.memref_slice %arg5[%mul3A_77] : memref<67108864xf32, #tpu.memory_space<hbm>> -> memref<32768xf32, #tpu.memory_space<hbm>>
      %dma_wait3A_78 = tpu.memref_slice %arg13[%mul3A_60] : memref<262152xf32, #tpu.memory_space<vmem_shared>> -> memref<32768xf32, #tpu.memory_space<vmem_shared>>
      tpu.wait_dma2 semaphore(%arg14 : memref<!tpu.dma_semaphore, #tpu.memory_space<semaphore_mem>>) src(%dma_wait3A_78 : memref<32768xf32, #tpu.memory_space<vmem_shared>>) dst(%dma_wait3A : memref<32768xf32, #tpu.memory_space<hbm>>)
    } else {
    }
    return
  }
}

</mosaic_0001>

<sc_bundles>
// kernel: kernel.3.cloned.1.call-start
scs
__scs_entry_jumppad:
0x0: {  	(pc) =	sbr.rel $0x88, $3  }
0x1: {  	(tag) =	ssettag $0x0;
	lr =	simm.s32 $0x1  }
0x2: {  	[smem:$0x3F9E] =	sst lr;
	_ =	strace $0xD0000000  }
0x3: {  	_ = 	snop  }
0x4: {  	_ = 	snop  }
0x5: {  	_ = 	snop  }
0x6: {  	_ = 	snop  }
0x7: {  	_ = 	snop  }
__scs_overlays_trampoline_lowered:
0x8: {  	[smem:$0x3FAD] =	sst s0  }
0x9: {  	[smem:$0x3FAE] =	sst s1  }
0xa: {  	[smem:$0x3FAF] =	sst s2  }
0xb: {  	[smem:$0x3FB0] =	sst s3  }
0xc: {  	[smem:$0x3FB1] =	sst s4  }
0xd: {  	[smem:$0x3FB2] =	sst s5  }
0xe: {  	[smem:$0x3FB3] =	sst s6  }
0xf: {  	[smem:$0x3FB4] =	sst s7  }
0x10: {  	[smem:$0x3FB5] =	sst s8  }
0x11: {  	[smem:$0x3FB6] =	sst s9;
	s0 =	simm.s32 @!p0 $0x0  }
0x12: {  	s1 =	sld [smem:$0x3F9C];
	s0 =	simm.s32 @p0 $0x1  }
0x13: {  	[smem:$0x3FB7] =	sst s0;
	s0 =	simm.s32 @!p1 $0x0  }
0x14: {  	s2 =	sld [smem:$0x3F9B];
	s0 =	simm.s32 @p1 $0x1  }
0x15: {  	[smem:$0x3FB8] =	sst s0;
	s0 =	simm.s32 @!p2 $0x0  }
0x16: {  	s3 =	sld [smem:$0x3FDB];
	s0 =	simm.s32 @p2 $0x1  }
0x17: {  	s4 =	simm.s32 $0x1BF5;
	[smem:$0x3FBA] =	sst s0  }
0x18: {  	s0 =	sld [smem:$0x3F9D];
	_ =	swait.ge [sflag:s4], $0x0  }
0x19: {  	s7 =	sld [smem:$0x3F9E]  }
0x1a: {  	s8 =	sadd.s32 $0xFFFFE003, lr  }
0x1b: {  	s9 =	sadd.s32 $0xFFFFFEF7, lr;
	s5 =	simm.s32 $0xFFFFFFFF;
	p2 =	slt.u32 s8, $0xFFFFF086  }
0x1c: {  	p1 =	slt.u32 s9, $0xF7A;
	s5 =	simm.s32 @!p2 $0x0  }
0x1d: {  	s5 =	simm.s32 @p1 $0x1;
	p0 =	seq.s32 s7, s2  }
0x1e: {  	s7 =	smul.u32 @!p0 $0xF7A, s2;
	p2 =	seq.s32 @!p0 s5, $0x0  }
0x1f: {  	s9 =	smul.u32 $0xF7A, s1;
	s8 =	simm.s32 @!p0 $0x1BF5;
	p2 =	por !p2, p0  }
0x20: {  	[sflag:s8] =	ssyncset.s32 @!p0 $0xFFFFF086;
	s6 =	sadd.s32 @!p0 s3, s7;
	s7 =	simm.s32 @!p0 $0x108  }
0x21: {  	s3 =	sadd.s32 s3, s9;
	s6 =	sadd.s32 @!p0 $0x88, s6;
	s7 =	simm.s32 @p2 $0x1082  }
0x22: {  	[simem:s7], [sflag:s8] =	dma.local @!p0 [hbm:s6], $0xF7A  }
0x23: {  	s9 =	sor.u32 $0xD0000000, s2;
	s6 =	simm.s32 $0x108;
	_ =	swait.ge @!p0 [sflag:s8], $0x0  }
0x24: {  	s3 =	sadd.s32 $0x88, s3;
	s6 =	simm.s32 @!p1 $0x1082;
	[sflag:s4] =	ssyncset.s32 $0xFFFFF086  }
0x25: {  	[simem:s6], [sflag:s4] =	dma.local [hbm:s3], $0xF7A  }
0x26: {  	[smem:$0x3F9E] =	sst s1;
	(tag) =	ssettag s2;
	_ =	strace s9  }
0x27: {  	s1 =	sld [smem:$0x3FAE]  }
0x28: {  	s2 =	sld [smem:$0x3FAF]  }
0x29: {  	s4 =	sld [smem:$0x3FB1]  }
0x2a: {  	p0 =	seq.s32 s5, $0x0;
	s5 =	sld [smem:$0x3FB2]  }
0x2b: {  	s6 =	sld [smem:$0x3FB3]  }
0x2c: {  	s7 =	sld [smem:$0x3FB4]  }
0x2d: {  	s3 =	simm.s32 $0x108;
	s8 =	sld [smem:$0x3FB5]  }
0x2e: {  	s3 =	simm.s32 @!p0 $0x1082;
	s9 =	sld [smem:$0x3FB6]  }
0x2f: {  	lr =	sadd.s32 s0, s3;
	s0 =	sld [smem:$0x3FAD]  }
0x30: {  	s3 =	sld [smem:$0x3FB0]  }
0x31: {  	[smem:$0x3FB9] =	sst s10  }
0x32: {  	s10 =	sld [smem:$0x3FB7];
	_ =	sdelay $0x3  }
0x33: {  	p0 =	seq.s32 s10, $0x1;
	s10 =	sld [smem:$0x3FB9];
	_ =	sdelay $0x3  }
0x34: {  	[smem:$0x3FB9] =	sst s10  }
0x35: {  	s10 =	sld [smem:$0x3FB8];
	_ =	sdelay $0x3  }
0x36: {  	p1 =	seq.s32 s10, $0x1;
	s10 =	sld [smem:$0x3FB9];
	_ =	sdelay $0x3  }
0x37: {  	[smem:$0x3FB9] =	sst s10  }
0x38: {  	s10 =	sld [smem:$0x3FBA]  }
0x39: {  	_ = 	snop;
	(pc) =	sbr.ind lr, $3  }
0x3a: {  	_ = 	snop  }
0x3b: {  	_ = 	snop  }
0x3c: {  	p2 =	seq.s32 s10, $0x1;
	s10 =	sld [smem:$0x3FB9]  }
0x3d: {  	_ =	shalt  }
0x3e: {  	_ =	shalt  }
0x3f: {  	_ =	shalt  }
0x40: {  	_ =	shalt  }
0x41: {  	_ =	shalt  }
0x42: {  	_ =	shalt  }
0x43: {  	_ =	shalt  }
0x44: {  	_ =	shalt  }
0x45: {  	_ =	shalt  }
0x46: {  	_ =	shalt  }
0x47: {  	_ =	shalt  }
0x48: {  	_ =	shalt  }
0x49: {  	_ =	shalt  }
0x4a: {  	_ =	shalt  }
0x4b: {  	_ =	shalt  }
0x4c: {  	_ =	shalt  }
0x4d: {  	_ =	shalt  }
0x4e: {  	_ =	shalt  }
0x4f: {  	_ =	shalt  }
0x50: {  	_ =	shalt  }
0x51: {  	_ =	shalt  }
0x52: {  	_ =	shalt  }
0x53: {  	_ =	shalt  }
0x54: {  	_ =	shalt  }
0x55: {  	_ =	shalt  }
0x56: {  	_ =	shalt  }
0x57: {  	_ =	shalt  }
0x58: {  	_ =	shalt  }
0x59: {  	_ =	shalt  }
0x5a: {  	_ =	shalt  }
0x5b: {  	_ =	shalt  }
0x5c: {  	_ =	shalt  }
0x5d: {  	_ =	shalt  }
0x5e: {  	_ =	shalt  }
0x5f: {  	_ =	shalt  }
0x60: {  	_ =	shalt  }
0x61: {  	_ =	shalt  }
0x62: {  	_ =	shalt  }
0x63: {  	_ =	shalt  }
0x64: {  	_ =	shalt  }
0x65: {  	_ =	shalt  }
0x66: {  	_ =	shalt  }
0x67: {  	_ =	shalt  }
0x68: {  	_ =	shalt  }
0x69: {  	_ =	shalt  }
0x6a: {  	_ =	shalt  }
0x6b: {  	_ =	shalt  }
0x6c: {  	_ =	shalt  }
0x6d: {  	_ =	shalt  }
0x6e: {  	_ =	shalt  }
0x6f: {  	_ =	shalt  }
0x70: {  	_ =	shalt  }
0x71: {  	_ =	shalt  }
0x72: {  	_ =	shalt  }
0x73: {  	_ =	shalt  }
0x74: {  	_ =	shalt  }
0x75: {  	_ =	shalt  }
0x76: {  	_ =	shalt  }
0x77: {  	_ =	shalt  }
0x78: {  	_ =	shalt  }
0x79: {  	_ =	shalt  }
0x7a: {  	_ =	shalt  }
0x7b: {  	_ =	shalt  }
0x7c: {  	_ =	shalt  }
0x7d: {  	_ =	shalt  }
0x7e: {  	_ =	shalt  }
0x7f: {  	_ =	shalt  }
0x80: {  	_ =	shalt  }
0x81: {  	_ =	shalt  }
0x82: {  	_ =	shalt  }
0x83: {  	_ =	shalt  }
0x84: {  	_ =	shalt  }
0x85: {  	_ =	shalt  }
0x86: {  	_ =	shalt  }
0x87: {  	_ =	shalt  }
.Lfunc_end0:
.L_simem_size_0:
called_computation_lowered:
.L_overlay_start_0:
0x88: {  	s2 =	sld [smem:$0x3FD9]  }
0x89: {  	s3 =	sld [smem:$0x3FFE];
	_ =	sdelay $0x1  }
0x8a: {  	s1 =	srdreg.scid  }
0x8b: {  	s0 =	sand.u32 $0x1, s1  }
0x8c: {  	s14 =	sshll.u32 s0, $0xA;
	s2 =	sadd.s32 s3, s2  }
0x8d: {  	s2 =	sadd.s32 s2, s14  }
0x8e: {  	[smem:$0x3FC5] =	sst s2  }
0x8f: {  	_ = 	snop  }
0x90: {  	s2 =	sld [smem:$0x3FD0];
	_ =	sdelay $0x2  }
0x91: {  	s15 =	simm.s32 $0xA;
	s4 =	simm.s32 $0x10  }
0x92: {  	[smem:s4], [sflag:s15] =	dma.local [hbm:s2], $0x1  }
0x93: {  	_ =	swait.eq [sflag:s15], $0x1  }
0x94: {  	[sflag:s15] =	ssyncset.done $0x0  }
0x95: {  	s16 =	sld [smem:$0x10];
	[sflag:s15] =	ssyncadd.s32 $0xFFFFFFFF  }
0x96: {  	s17 =	sld [smem:$0x11];
	(tm) =	ssettm $0x1  }
0x97: {  	s18 =	sld [smem:$0x3FFB];
	_ =	sdelay $0x3  }
0x98: {  	_ =	strace s18  }
0x99: {  	s4 =	sld [smem:$0x3FFC];
	_ =	sdelay $0x3  }
0x9a: {  	_ =	strace s4  }
0x9b: {  	s4 =	sld [smem:$0x3FFD];
	_ =	sdelay $0x3  }
0x9c: {  	_ =	strace s4  }
0x9d: {  	_ =	strace $0x8FFFFFFF  }
0x9e: {  	s19 =	sld [smem:$0x3FDB];
	_ =	sdelay $0x1  }
0x9f: {  	s5 =	simm.s32 $_scs_section_size  }
0xa0: {  	s6 =	simm.s32 $_size__tile_overlayer_lowered;
	s7 =	simm.s32 $_tile_overlayer_lowered  }
0xa1: {  	s22 =	simm.s32 $0x1BFF;
	s21 =	sshll.u32 s7, $0x1;
	s4 =	sadd.s32 s5, s19  }
0xa2: {  	s8 =	simm.s32 $0x0;
	s20 =	sshll.u32 s6, $0x1;
	s6 =	sadd.s32 s21, s4  }
0xa3: {  	[timem:s8], [sflag:s22] =	dma.local [hbm:s6], s20  }
0xa4: {  	_ =	swait.ge [sflag:s22], s20  }
0xa5: {  	s5 =	ssub.s32 $0x0, s20;
	[sflag:s22] =	ssyncset.done $0x0  }
0xa6: {  	[sflag:s22] =	ssyncadd.s32 s5;
	_ =	sdelay $0x1  }
0xa7: {  	s23 =	simm.s32 $0x1B8B  }
0xa8: {  	_ =	swait.ge [sflag:s23], $0x1  }
0xa9: {  	[sflag:s23] =	ssyncset.done $0x0  }
0xaa: {  	s25 =	simm.s32 $0x1B8E;
	s24 =	sld [smem:$0x3FFE];
	[sflag:s23] =	ssyncadd.s32 $0xFFFFFFFF  }
0xab: {  	s26 =	simm.s32 $execute0_lowered;
	[smem:$0x3FD2] =	sst s25  }
0xac: {  	s6 =	sshll.u32 s26, $0x1;
	_ =	strace $0x80000046;
	[dreg:$0x1] =	wrdreg $0xFFFFFFFF  }
0xad: {  	s28 =	simm.s32 $_size_execute0_lowered;
	s4 =	sadd.s32 s4, s6;
	[dreg:$0x0] =	wrdreg $0x0  }
0xae: {  	s6 =	sshll.u32 s28, $0x1;
	[dreg:$0x2] =	wrdreg s4  }
0xaf: {  	[dreg:$0x3] =	wrdreg s6  }
0xb0: {  	[dreg:$0x4] =	wrdreg $0xC0  }
0xb1: {  	_ =	task [dreg:s8], $0x5FFFF  }
0xb2: {  	[dreg:$0x1] =	wrdreg $0xFFFFFFFF  }
0xb3: {  	[dreg:$0x0] =	wrdreg $0x60  }
0xb4: {  	[dreg:$0x2] =	wrdreg s24  }
0xb5: {  	[dreg:$0x3] =	wrdreg s16  }
0xb6: {  	[dreg:$0x4] =	wrdreg s17  }
0xb7: {  	[dreg:$0x5] =	wrdreg $0x17D000  }
0xb8: {  	[dreg:$0x6] =	wrdreg $0x1BD080  }
0xb9: {  	[dreg:$0x7] =	wrdreg $0x9  }
0xba: {  	_ =	task.clear_ibuf [dreg:s8], $0x8FFFF;
	_ =	strace $0x90000046  }
0xbb: {  	s29 =	simm.s32 $0x9;
	_ =	strace $0x80000048  }
0xbc: {  	_ =	swait.ge [sflag:s29], $0x1  }
0xbd: {  	[sflag:s29] =	ssyncadd.s32 $0xFFFFFFFF  }
0xbe: {  	_ =	strace $0x90000048  }
0xbf: {  	_ =	sfence  }
0xc0: {  	s30 =	sld [smem:$0x0];
	_ =	sdelay $0x2  }
0xc1: {  	s31 =	sshll.u32 s1, $0xD;
	s1 =	sshrl.u32 s1, $0x2  }
0xc2: {  	s3 =	sand.u32 $0x4000, s31;
	s1 =	sadd.s32 s1, s30  }
0xc3: {  	s0 =	sor.u32 s3, s0;
	s1 =	sshll.u32 s1, $0x11  }
0xc4: {  	s0 =	sor.u32 s1, s0  }
0xc5: {  	s0 =	sadd.s32 $0x8F2B, s0  }
0xc6: {  	[sflag:s0] =	ssyncadd.remote.s32 $0x1  }
0xc7: {  	_ =	sfence.sel $0xFFFF  }
0xc8: {  	[dreg:$0x0] =	wrdreg $0xFFFFFFFF;
	(pc) =	sbr.abs _section_cstart, $3  }
0xc9: {  	[dreg:$0x1] =	wrdreg $0xFFFFFFFF  }
0xca: {  	_ =	task.clear_ibuf [dreg:s8], $0x2FFFF;
	_ =	strace $0x9FFFFFFF  }
0xcb: {  	(tm) =	ssettm $0x7FFFFFFF  }
tec
execute0_lowered:
.L_overlay_start_1:
0x0: {  	(tag) =	ssettag $0x1  }
0x1: {  	s0 =	srdreg.scid;
	s1 =	rddreg [dreg:$0x0]  }
0x2: {  	s13 =	stileid.u32;
	s4 =	rddreg [dreg:$0x3]  }
0x3: {  	s5 =	rddreg [dreg:$0x4];
	s9 =	simm.s32 $0x0;
	s2 =	sand.u32 $0x1, s0  }
0x4: {  	s3 =	sshrl.u32 s13, $0x3;
	s6 =	sand.u32 $0x7, s13;
	[smem:$0x7FF] =	sst s9  }
0x5: {  	s0 =	sshll.u32 s2, $0x1;
	s8 =	smul.u32 $0x500, s6;
	_ =	strace $0x80000047  }
0x6: {  	s15 =	ssub.s32 $0x2, s2;
	s20 =	sshll.u32 s6, $0xF;
	s0 =	sor.u32 s3, s0  }
0x7: {  	s11 =	sshrl.u32 s15, $0x1;
	s14 =	sadd.s32 s20, s5;
	[dreg:$0x8] =	wrdreg s20  }
0x8: {  	s7 =	smul.u32 $0x2800, s0;
	s17 =	ssub.s32 s15, s11;
	s25 =	sadd.s32 $0x1000, s14  }
0x9: {  	s26 =	sadd.s32 $0x1800, s14;
	s9 =	sshll.u32 s0, $0x12;
	[dreg:$0xd] =	wrdreg s25  }
0xa: {  	s15 =	sshll.u32 s2, $0x19;
	s2 =	sshll.u32 s2, $0x13;
	[dreg:$0xe] =	wrdreg s26  }
0xb: {  	s6 =	sor.u32 s20, s9;
	[dreg:$0x11] =	wrdreg s15;
	s7 =	sadd.s32 s8, s7  }
0xc: {  	s2 =	sor.u32 s2, s20;
	[dreg:$0x10] =	wrdreg s6;
	s8 =	sshrl.u32 s7, $0x1  }
0xd: {  	[dreg:$0x12] =	wrdreg s2;
	s16 =	sshrl.u32 s7, $0x3;
	s10 =	sadd.s32 s8, s1  }
0xe: {  	s12 =	sadd.s32 s16, s1;
	s8 =	sadd.s32 $0x7800, s1;
	s1 =	smax.u32 s17, $0x1  }
0xf: {  	s18 =	sadd.s32 $0x1400, s10;
	[dreg:$0x13] =	wrdreg s1  }
0x10: {  	s19 =	sadd.s32 $0x1410, s10;
	[dreg:$0x6] =	wrdreg s18  }
0x11: {  	p0 =	sne.s32 s3, $0x0;
	s22 =	sadd.s32 $0x1420, s10;
	[dreg:$0x7] =	wrdreg s19  }
0x12: {  	s28 =	sadd.s32 $0x3800, s14;
	s23 =	sadd.s32 $0x1430, s10;
	[dreg:$0x9] =	wrdreg s22  }
0x13: {  	s29 =	sadd.s32 $0x4000, s14;
	s24 =	sadd.s32 $0x6400, s12;
	[dreg:$0xa] =	wrdreg s23  }
0x14: {  	s12 =	sshll.u32 s13, $0xF;
	s13 =	sadd.s32 $0x2000, s14;
	[dreg:$0xb] =	wrdreg s24  }
0x15: {  	s19 =	sadd.s32 $0x800, s14;
	[dreg:$0xf] =	wrdreg s13;
	s21 =	sadd.s32 s12, s4  }
0x16: {  	s30 =	sadd.s32 $0x4800, s14;
	s16 =	sadd.s32 $0x800, s21;
	[dreg:$0xc] =	wrdreg s19  }
0x17: {  	s31 =	sadd.s32 $0x5000, s14;
	s17 =	sadd.s32 $0x1000, s21;
	[dreg:$0x14] =	wrdreg s16  }
0x18: {  	s3 =	sadd.s32 $0x5800, s14;
	s18 =	sadd.s32 $0x1800, s21;
	[dreg:$0x15] =	wrdreg s17  }
0x19: {  	s25 =	sadd.s32 $0x2800, s14;
	s22 =	sadd.s32 $0x2000, s21;
	[dreg:$0x16] =	wrdreg s18  }
0x1a: {  	s26 =	sadd.s32 $0x3000, s14;
	s24 =	sadd.s32 $0x2800, s21;
	[dreg:$0x17] =	wrdreg s22  }
0x1b: {  	s20 =	sadd.s32 $0x7000, s14;
	s6 =	sadd.s32 $0x3000, s21;
	[dreg:$0x18] =	wrdreg s24  }
0x1c: {  	s9 =	sadd.s32 $0x7800, s14;
	s11 =	sadd.s32 $0x3800, s21;
	[dreg:$0x19] =	wrdreg s6  }
0x1d: {  	s2 =	sadd.s32 $0x6800, s14;
	s12 =	sadd.s32 $0x4000, s21;
	[dreg:$0x1a] =	wrdreg s11  }
0x1e: {  	s10 =	sshll.u32 s0, $0x18;
	s13 =	sadd.s32 $0x4800, s21;
	[dreg:$0x1b] =	wrdreg s12  }
0x1f: {  	s23 =	sadd.s32 $0x6000, s14;
	s15 =	sadd.s32 $0x5000, s21;
	[dreg:$0x1c] =	wrdreg s13  }
0x20: {  	[dreg:$0x1d] =	wrdreg s15;
	s16 =	sadd.s32 $0x5800, s21;
	s17 =	sadd.s32 $0x6000, s21  }
.Ltmp0:
0x21: {  	s18 =	sadd.s32 $0x6800, s21;
	[dreg:$0x1e] =	wrdreg s16;
	(pc) =	sbr.rel .LBB2_1-.Ltmp0, $4  }
0x22: {  	s22 =	sadd.s32 $0x7000, s21;
	s24 =	sadd.s32 $0x7800, s21;
	[dreg:$0x1f] =	wrdreg s17  }
0x23: {  	s13 =	simm.s32 $0x80;
	s15 =	simm.s32 $0x3;
	[smem:$0x7FB] =	sst s18  }
0x24: {  	v1 =	vlaneseq.u32;
	s11 =	simm.s32 $0x17500;
	s6 =	simm.s32 $0x2;
	[smem:$0x7FC] =	sst s22  }
0x25: {  	v2 =	vimm.f32 $0.0e+00;
	v1 =	vmul.u32 $0x500, v1;
	v0 =	vmov s0;
	[smem:$0x7FD] =	sst s24;
	s24 =	simm.s32 $0x1C00;
	s17 =	simm.s32 $0x0  }
.LBB2_12:
0x26: {  	s1 =	rddreg [dreg:$0x12]  }
0x27: {  	s0 =	smov.u32 s21;
	s17 =	sld [smem:$0x7FA]  }
.LBB2_15:
0x28: {  	s1 =	sshrl.u32 s1, $0x3  }
0x29: {  	s12 =	sshll.u32 s18, $0x6;
	s16 =	rddreg [dreg:$0x2];
	s0 =	sshrl.u32 s0, $0x3  }
0x2a: {  	s19 =	simm.s32 $0x1;
	s1 =	sadd.s32 s16, s1;
	s12 =	sor.u32 $0x1C01, s12  }
0x2b: {  	[hbm:s1], [sflag:s12] =	dma.local [spmem:s0], $0x1000  }
0x2c: {  	_ =	swait.ge [sflag:s19], $0x1000  }
0x2d: {  	s17 =	sadd.s32 $0x1, s17;
	s22 =	rddreg [dreg:$0x13]  }
0x2e: {  	p1 =	sne.s32 s17, s22  }
.Ltmp1:
0x2f: {  	_ = 	snop;
	(pc) =	sbr.rel @!p1 .LBB2_16-.Ltmp1, $3  }
0x30: {  	_ =	sdelay $0x1  }
0x31: {  	[sflag:s19] =	ssyncset.done $0x0  }
0x32: {  	[sflag:s19] =	ssyncadd.s32 $0xFFFFF000  }
.LBB2_1:
0x33: {  	[smem:$0x7FA] =	sst s17  }
0x34: {  	s0 =	simm.s32 $0x0;
	s1 =	rddreg [dreg:$0x6];
	s12 =	simm.s32 $0x200  }
0x35: {  	[tilespmem:s0], [sflag:$0x3] =	stream.strided.gather [hbm4b:s1+s13], $0x500, s12, s13, $0x38;
	[tilespmem:$0x1FD10] =	vst v63  }
0x36: {  	_ =	swait.ge [sflag:s15], $0x500  }
0x37: {  	[sflag:s15] =	ssyncset.done $0x0  }
0x38: {  	s16 =	simm.s32 $0x500;
	s18 =	rddreg [dreg:$0x7];
	[sflag:s15] =	ssyncadd.s32 $0xFFFFFB00  }
0x39: {  	[tilespmem:s16], [sflag:$0x3] =	stream.strided.gather [hbm4b:s18+s13], $0x500, s12, s13, $0x38;
	[tilespmem:$0x1FD10] =	vst v63  }
0x3a: {  	_ =	swait.ge [sflag:s15], $0x500  }
0x3b: {  	[sflag:s15] =	ssyncset.done $0x0  }
0x3c: {  	s22 =	simm.s32 $0xA00;
	s19 =	rddreg [dreg:$0x9];
	[sflag:s15] =	ssyncadd.s32 $0xFFFFFB00  }
0x3d: {  	[tilespmem:s22], [sflag:$0x3] =	stream.strided.gather [hbm4b:s19+s13], $0x500, s12, s13, $0x38;
	[tilespmem:$0x1FD10] =	vst v63  }
0x3e: {  	_ =	swait.ge [sflag:s15], $0x500  }
0x3f: {  	[sflag:s15] =	ssyncset.done $0x0  }
0x40: {  	s18 =	simm.s32 $0xF00;
	s17 =	rddreg [dreg:$0xa];
	[sflag:s15] =	ssyncadd.s32 $0xFFFFFB00  }
0x41: {  	[tilespmem:s18], [sflag:$0x3] =	stream.strided.gather [hbm4b:s17+s13], $0x500, s12, s13, $0x38;
	[tilespmem:$0x1FD10] =	vst v63  }
0x42: {  	_ =	swait.ge [sflag:s15], $0x500  }
0x43: {  	[sflag:s15] =	ssyncset.done $0x0  }
0x44: {  	s22 =	simm.s32 $0x15C00;
	s19 =	rddreg [dreg:$0xb];
	[sflag:s15] =	ssyncadd.s32 $0xFFFFFB00  }
0x45: {  	[tilespmem:s22], [sflag:$0x3] =	stream.linear.gather [hbm4b:s19+s0], $0x500, $0x38;
	[tilespmem:$0x1FD10] =	vst v63  }
0x46: {  	_ =	swait.ge [sflag:s15], $0x500  }
0x47: {  	[sflag:s15] =	ssyncset.done $0x0  }
0x48: {  	s1 =	sand.u32 $0x7F0, s0;
	[sflag:s15] =	ssyncadd.s32 $0xFFFFFB00  }
0x49: {  	s12 =	simm.s32 $0x0;
	s22 =	simm.s32 $0x40;
	s0 =	simm.s32 $0x0;
	v3 =	vld [tilespmem:s1+$0xF00]  }
.LBB2_2:
0x4a: {  	p1 =	sne.s32 s22, $0x13C0;
	v4 =	vld [tilespmem:s1+$0xA00]  }
0x4b: {  	s16 =	sshra.s32 s12, $0x2;
	v5 =	vld [tilespmem:s1+$0x500]  }
0x4c: {  	v6 =	vld [tilespmem:s16+$0x0];
	_ =	sdelay $0x2  }
0x4d: {  	v4 =	vshll.u32 v4, $0x9  }
.Ltmp2:
0x4e: {  	s1 =	sand.u32 $0x1E00, s12;
	s12 =	smov.u32 s22;
	v4 =	vadd.s32 v5, v4;
	(pc) =	sbr.rel @p1 .LBB2_2-.Ltmp2, $4  }
0x4f: {  	s16 =	sand.u32 $0x70, s0;
	s1 =	sshrl.u32 s1, $0x2;
	v3 =	vadd.s32 v3, v4;
	vm0 =	veq.s32 v6, v0  }
0x50: {  	s0 =	sadd.s32 $0x10, s0;
	s16 =	sor.u32 s16, s1;
	v3 =	vnsel vm0, $0x40000, v3  }
0x51: {  	s1 =	sand.u32 $0x7F0, s0;
	[tilespmem:s16+$0x1400] =	vst v3  }
0x52: {  	s22 =	sadd.s32 $0x40, s22;
	v3 =	vld [tilespmem:s1+$0xF00]  }
0x53: {  	v4 =	vld [tilespmem:s1+$0xA00]  }
0x54: {  	s16 =	sshra.s32 s12, $0x2;
	v5 =	vld [tilespmem:s1+$0x500]  }
0x55: {  	v6 =	vld [tilespmem:s16+$0x0];
	_ =	sdelay $0x2  }
0x56: {  	v4 =	vshll.u32 v4, $0x9  }
0x57: {  	s22 =	sand.u32 $0x1E00, s12;
	v4 =	vadd.s32 v5, v4  }
0x58: {  	s0 =	sand.u32 $0x70, s0;
	s1 =	sshrl.u32 s22, $0x2;
	vm0 =	veq.s32 v6, v0;
	v3 =	vadd.s32 v3, v4  }
0x59: {  	s0 =	sor.u32 s0, s1;
	v3 =	vnsel vm0, $0x40000, v3  }
0x5a: {  	s12 =	simm.s32 $0x0;
	[tilespmem:s0+$0x1400] =	vst v3;
	s0 =	simm.s32 $0x0  }
.LBB2_4:
0x5b: {  	s22 =	smul.u32 $0x50, s12;
	_ =	sdelay $0x1  }
0x5c: {  	s1 =	sadd.s32 s7, s22  }
0x5d: {  	s16 =	rddreg [dreg:$0x1];
	s17 =	sand.u32 $0x30, s0;
	s1 =	sshll.u32 s1, $0x3  }
0x5e: {  	s18 =	simm.s32 $0x10;
	v3 =	vmov s17;
	s1 =	sadd.s32 s16, s1;
	s16 =	simm.s32 $0x16100  }
0x5f: {  	v3 =	vmul.u32 $0x500, v3;
	[tilespmem:s16], [sflag:$0x3] =	stream.linear.gather [hbm4b:s1+s0], $0x1400, $0x38;
	[tilespmem:$0x1FD10] =	vst v63  }
0x60: {  	s17 =	sadd.s32 $0x0, s22;
	s1 =	sand.u32 $0x30, s18  }
0x61: {  	v3 =	vadd.s32 s17, v3;
	v4 =	vmov s1;
	_ =	swait.ge [sflag:s15], $0x1400  }
0x62: {  	v5 =	vbroadcast v3, $0x0;
	v4 =	vmul.u32 $0x500, v4;
	[sflag:s15] =	ssyncset.done $0x0  }
0x63: {  	s19 =	sadd.s32 $0x0, s22;
	[sflag:s15] =	ssyncadd.s32 $0xFFFFEC00  }
0x64: {  	v6 =	vadd.s32 s19, v4;
	v3 =	vld [tilespmem:s16+$0x0];
	v4 =	vadd.s32 v1, v5;
	_ =	sdelay $0x2  }
0x65: {  	s17 =	simm.s32 $0x20;
	s1 =	simm.s32 $0x2;
	s16 =	simm.s32 $0x16110;
	v5 =	vbroadcast v6, $0x0  }
.LBB2_5:
0x66: {  	s18 =	sand.u32 $0x30, s17  }
0x67: {  	p1 =	sne.s32 s1, $0x13F;
	[tilespmem:v4+s24+$0x0] =	vst.idx.msk $0xffff, v3;
	s19 =	smov.u32 s1;
	s1 =	sadd.s32 $0x1, s1  }
.Ltmp3:
0x68: {  	v6 =	vmov s18;
	v3 =	vld [tilespmem:s16+$0x0];
	v4 =	vadd.s32 v1, v5;
	(pc) =	sbr.rel @p1 .LBB2_5-.Ltmp3, $4  }
0x69: {  	s18 =	sshrl.u32 s19, $0x2;
	v5 =	vmul.u32 $0x500, v6  }
0x6a: {  	s18 =	sadd.s32 s22, s18  }
0x6b: {  	v5 =	vadd.s32 s18, v5  }
0x6c: {  	s17 =	sadd.s32 $0x10, s17;
	s16 =	sadd.s32 $0x10, s16;
	v5 =	vbroadcast v5, $0x0  }
0x6d: {  	_ =	sdelay $0x3  }
0x6e: {  	[tilespmem:v4+s24+$0x0] =	vst.idx.msk $0xffff, v3;
	s12 =	sadd.s32 $0x1, s12  }
0x6f: {  	v3 =	vld [tilespmem:s16+$0x0];
	v63 =	vadd.s32 v1, v5;
	p1 =	sne.s32 s12, $0x10  }
.Ltmp4:
0x70: {  	_ = 	snop;
	(pc) =	sbr.rel @p1 .LBB2_4-.Ltmp4, $2  }
0x71: {  	_ =	sdelay $0x2  }
0x72: {  	[tilespmem:v63+s24+$0x0] =	vst.idx.msk $0xffff, v3  }
0x73: {  	s0 =	simm.s32 $0x0  }
.LBB2_8:
0x74: {  	p1 =	sne.s32 s0, $0x1FC0  }
.Ltmp5:
0x75: {  	_ = 	snop;
	(pc) =	sbr.rel @p1 .LBB2_8-.Ltmp5, $3  }
0x76: {  	_ =	sdelay $0x1  }
0x77: {  	s1 =	sshra.s32 s0, $0x2  }
0x78: {  	s0 =	sadd.s32 $0x40, s0;
	[tilespmem:s1+$0x17500] =	vst v2  }
.Ltmp6:
0x79: {  	(pc) =	sbr.rel .LBB2_10-.Ltmp6, $3  }
0x7a: {  	_ =	sdelay $0x1  }
0x7b: {  	s22 =	simm.s32 $0x40;
	s0 =	rddreg [dreg:$0x8]  }
0x7c: {  	s12 =	simm.s32 $0x1C00;
	s18 =	stileid.u32;
	s19 =	rddreg [dreg:$0xc]  }
.LBB2_11:
0x7d: {  	[spmem:s21] =	stream.linear.scatter [tilespmem:s11], [sflag:$0x3], $0x800, $0x38;
	[tilespmem:$0x1FD10] =	vst v63  }
0x7e: {  	_ =	swait.ge [sflag:s15], $0x800  }
0x7f: {  	[sflag:s15] =	ssyncset.done $0x0  }
0x80: {  	s1 =	rddreg [dreg:$0x14];
	[sflag:s15] =	ssyncadd.s32 $0xFFFFF800  }
0x81: {  	[spmem:s1] =	stream.linear.scatter [tilespmem:s11], [sflag:$0x3], $0x800, $0x38;
	[tilespmem:$0x1FD10] =	vst v63  }
0x82: {  	_ =	swait.ge [sflag:s15], $0x800  }
0x83: {  	[sflag:s15] =	ssyncset.done $0x0  }
0x84: {  	s16 =	rddreg [dreg:$0x15];
	[sflag:s15] =	ssyncadd.s32 $0xFFFFF800  }
0x85: {  	[spmem:s16] =	stream.linear.scatter [tilespmem:s11], [sflag:$0x3], $0x800, $0x38;
	[tilespmem:$0x1FD10] =	vst v63  }
0x86: {  	_ =	swait.ge [sflag:s15], $0x800  }
0x87: {  	[sflag:s15] =	ssyncset.done $0x0  }
0x88: {  	s17 =	rddreg [dreg:$0x16];
	[sflag:s15] =	ssyncadd.s32 $0xFFFFF800  }
0x89: {  	[spmem:s17] =	stream.linear.scatter [tilespmem:s11], [sflag:$0x3], $0x800, $0x38;
	[tilespmem:$0x1FD10] =	vst v63  }
0x8a: {  	_ =	swait.ge [sflag:s15], $0x800  }
0x8b: {  	[sflag:s15] =	ssyncset.done $0x0  }
0x8c: {  	s16 =	rddreg [dreg:$0x17];
	[sflag:s15] =	ssyncadd.s32 $0xFFFFF800  }
0x8d: {  	[spmem:s16] =	stream.linear.scatter [tilespmem:s11], [sflag:$0x3], $0x800, $0x38;
	[tilespmem:$0x1FD10] =	vst v63  }
0x8e: {  	_ =	swait.ge [sflag:s15], $0x800  }
0x8f: {  	[sflag:s15] =	ssyncset.done $0x0  }
0x90: {  	s17 =	rddreg [dreg:$0x18];
	[sflag:s15] =	ssyncadd.s32 $0xFFFFF800  }
0x91: {  	[spmem:s17] =	stream.linear.scatter [tilespmem:s11], [sflag:$0x3], $0x800, $0x38;
	[tilespmem:$0x1FD10] =	vst v63  }
0x92: {  	_ =	swait.ge [sflag:s15], $0x800  }
0x93: {  	[sflag:s15] =	ssyncset.done $0x0  }
0x94: {  	s16 =	rddreg [dreg:$0x19];
	[sflag:s15] =	ssyncadd.s32 $0xFFFFF800  }
0x95: {  	[spmem:s16] =	stream.linear.scatter [tilespmem:s11], [sflag:$0x3], $0x800, $0x38;
	[tilespmem:$0x1FD10] =	vst v63  }
0x96: {  	_ =	swait.ge [sflag:s15], $0x800  }
0x97: {  	[sflag:s15] =	ssyncset.done $0x0  }
0x98: {  	s17 =	rddreg [dreg:$0x1a];
	[sflag:s15] =	ssyncadd.s32 $0xFFFFF800  }
0x99: {  	[spmem:s17] =	stream.linear.scatter [tilespmem:s11], [sflag:$0x3], $0x800, $0x38;
	[tilespmem:$0x1FD10] =	vst v63  }
0x9a: {  	_ =	swait.ge [sflag:s15], $0x800  }
0x9b: {  	[sflag:s15] =	ssyncset.done $0x0  }
0x9c: {  	s16 =	rddreg [dreg:$0x1b];
	[sflag:s15] =	ssyncadd.s32 $0xFFFFF800  }
0x9d: {  	[spmem:s16] =	stream.linear.scatter [tilespmem:s11], [sflag:$0x3], $0x800, $0x38;
	[tilespmem:$0x1FD10] =	vst v63  }
0x9e: {  	_ =	swait.ge [sflag:s15], $0x800  }
0x9f: {  	[sflag:s15] =	ssyncset.done $0x0  }
0xa0: {  	s17 =	rddreg [dreg:$0x1c];
	[sflag:s15] =	ssyncadd.s32 $0xFFFFF800  }
0xa1: {  	[spmem:s17] =	stream.linear.scatter [tilespmem:s11], [sflag:$0x3], $0x800, $0x38;
	[tilespmem:$0x1FD10] =	vst v63  }
0xa2: {  	_ =	swait.ge [sflag:s15], $0x800  }
0xa3: {  	[sflag:s15] =	ssyncset.done $0x0  }
0xa4: {  	s16 =	rddreg [dreg:$0x1d];
	[sflag:s15] =	ssyncadd.s32 $0xFFFFF800  }
0xa5: {  	[spmem:s16] =	stream.linear.scatter [tilespmem:s11], [sflag:$0x3], $0x800, $0x38;
	[tilespmem:$0x1FD10] =	vst v63  }
0xa6: {  	_ =	swait.ge [sflag:s15], $0x800  }
0xa7: {  	[sflag:s15] =	ssyncset.done $0x0  }
0xa8: {  	s17 =	rddreg [dreg:$0x1e];
	[sflag:s15] =	ssyncadd.s32 $0xFFFFF800  }
0xa9: {  	[spmem:s17] =	stream.linear.scatter [tilespmem:s11], [sflag:$0x3], $0x800, $0x38;
	[tilespmem:$0x1FD10] =	vst v63  }
0xaa: {  	_ =	swait.ge [sflag:s15], $0x800  }
0xab: {  	[sflag:s15] =	ssyncset.done $0x0  }
0xac: {  	s16 =	rddreg [dreg:$0x1f];
	[sflag:s15] =	ssyncadd.s32 $0xFFFFF800  }
0xad: {  	[spmem:s16] =	stream.linear.scatter [tilespmem:s11], [sflag:$0x3], $0x800, $0x38;
	[tilespmem:$0x1FD10] =	vst v63  }
0xae: {  	_ =	swait.ge [sflag:s15], $0x800  }
0xaf: {  	s17 =	sld [smem:$0x7FB]  }
0xb0: {  	[sflag:s15] =	ssyncset.done $0x0  }
0xb1: {  	[sflag:s15] =	ssyncadd.s32 $0xFFFFF800  }
0xb2: {  	[spmem:s17] =	stream.linear.scatter [tilespmem:s11], [sflag:$0x3], $0x800, $0x38;
	[tilespmem:$0x1FD10] =	vst v63  }
0xb3: {  	_ =	swait.ge [sflag:s15], $0x800  }
0xb4: {  	s16 =	sld [smem:$0x7FC]  }
0xb5: {  	[sflag:s15] =	ssyncset.done $0x0  }
0xb6: {  	[sflag:s15] =	ssyncadd.s32 $0xFFFFF800  }
0xb7: {  	[spmem:s16] =	stream.linear.scatter [tilespmem:s11], [sflag:$0x3], $0x800, $0x38;
	[tilespmem:$0x1FD10] =	vst v63  }
0xb8: {  	_ =	swait.ge [sflag:s15], $0x800  }
0xb9: {  	s17 =	sld [smem:$0x7FD]  }
0xba: {  	[sflag:s15] =	ssyncset.done $0x0  }
0xbb: {  	[sflag:s15] =	ssyncadd.s32 $0xFFFFF800  }
0xbc: {  	[spmem:s17] =	stream.linear.scatter [tilespmem:s11], [sflag:$0x3], $0x800, $0x38;
	[tilespmem:$0x1FD10] =	vst v63  }
0xbd: {  	_ =	swait.ge [sflag:s15], $0x800  }
0xbe: {  	[sflag:s15] =	ssyncset.done $0x0  }
0xbf: {  	[sflag:s15] =	ssyncadd.s32 $0xFFFFF800  }
0xc0: {  	s16 =	simm.s32 $0x1400;
	[bflag:$0x0] =	sbarrier.arrive $0xFFFF  }
0xc1: {  	[spmem:s4] =	stream.indirect.scatter.add.f32 [tilespmem:s12], [sflag:$0x2], $0x1, s16, s13, $0xb8;
	[tilespmem:$0x1FD10] =	vst v63  }
0xc2: {  	s17 =	sadd.s32 $0x80, s12;
	s16 =	simm.s32 $0x1480  }
0xc3: {  	[spmem:s4] =	stream.indirect.scatter.add.f32 [tilespmem:s17], [sflag:$0x2], $0x1, s16, s13, $0xb8;
	[tilespmem:$0x1FD10] =	vst v63  }
0xc4: {  	s16 =	sadd.s32 $0x100, s12;
	s17 =	simm.s32 $0x1500  }
0xc5: {  	[spmem:s4] =	stream.indirect.scatter.add.f32 [tilespmem:s16], [sflag:$0x2], $0x1, s17, s13, $0xb8;
	[tilespmem:$0x1FD10] =	vst v63  }
0xc6: {  	s16 =	sadd.s32 $0x180, s12;
	s17 =	simm.s32 $0x1580  }
0xc7: {  	[spmem:s4] =	stream.indirect.scatter.add.f32 [tilespmem:s16], [sflag:$0x2], $0x1, s17, s13, $0xb8;
	[tilespmem:$0x1FD10] =	vst v63  }
0xc8: {  	s16 =	sadd.s32 $0x200, s12;
	s17 =	simm.s32 $0x1600  }
0xc9: {  	[spmem:s4] =	stream.indirect.scatter.add.f32 [tilespmem:s16], [sflag:$0x2], $0x1, s17, s13, $0xb8;
	[tilespmem:$0x1FD10] =	vst v63  }
0xca: {  	s16 =	sadd.s32 $0x280, s12;
	s17 =	simm.s32 $0x1680  }
0xcb: {  	[spmem:s4] =	stream.indirect.scatter.add.f32 [tilespmem:s16], [sflag:$0x2], $0x1, s17, s13, $0xb8;
	[tilespmem:$0x1FD10] =	vst v63  }
0xcc: {  	s16 =	sadd.s32 $0x300, s12;
	s17 =	simm.s32 $0x1700  }
0xcd: {  	[spmem:s4] =	stream.indirect.scatter.add.f32 [tilespmem:s16], [sflag:$0x2], $0x1, s17, s13, $0xb8;
	[tilespmem:$0x1FD10] =	vst v63  }
0xce: {  	s16 =	sadd.s32 $0x380, s12;
	s17 =	simm.s32 $0x1780  }
0xcf: {  	[spmem:s4] =	stream.indirect.scatter.add.f32 [tilespmem:s16], [sflag:$0x2], $0x1, s17, s13, $0xb8;
	[tilespmem:$0x1FD10] =	vst v63  }
0xd0: {  	s16 =	sadd.s32 $0x400, s12;
	s17 =	simm.s32 $0x1800  }
0xd1: {  	[spmem:s4] =	stream.indirect.scatter.add.f32 [tilespmem:s16], [sflag:$0x2], $0x1, s17, s13, $0xb8;
	[tilespmem:$0x1FD10] =	vst v63  }
0xd2: {  	s16 =	sadd.s32 $0x480, s12;
	s17 =	simm.s32 $0x1880  }
0xd3: {  	[spmem:s4] =	stream.indirect.scatter.add.f32 [tilespmem:s16], [sflag:$0x2], $0x1, s17, s13, $0xb8;
	[tilespmem:$0x1FD10] =	vst v63  }
0xd4: {  	_ =	swait.ge [sflag:s6], $0x80  }
0xd5: {  	[sflag:s6] =	ssyncset.done $0x0  }
0xd6: {  	[sflag:s6] =	ssyncadd.s32 $0xFFFFFF80  }
0xd7: {  	_ =	swait.ge [sflag:s6], $0x80  }
0xd8: {  	[sflag:s6] =	ssyncset.done $0x0  }
0xd9: {  	[sflag:s6] =	ssyncadd.s32 $0xFFFFFF80  }
0xda: {  	_ =	swait.ge [sflag:s6], $0x80  }
0xdb: {  	[sflag:s6] =	ssyncset.done $0x0  }
0xdc: {  	[sflag:s6] =	ssyncadd.s32 $0xFFFFFF80  }
0xdd: {  	_ =	swait.ge [sflag:s6], $0x80  }
0xde: {  	[sflag:s6] =	ssyncset.done $0x0  }
0xdf: {  	[sflag:s6] =	ssyncadd.s32 $0xFFFFFF80  }
0xe0: {  	_ =	swait.ge [sflag:s6], $0x80  }
0xe1: {  	[sflag:s6] =	ssyncset.done $0x0  }
0xe2: {  	[sflag:s6] =	ssyncadd.s32 $0xFFFFFF80  }
0xe3: {  	_ =	swait.ge [sflag:s6], $0x80  }
0xe4: {  	[sflag:s6] =	ssyncset.done $0x0  }
0xe5: {  	[sflag:s6] =	ssyncadd.s32 $0xFFFFFF80  }
0xe6: {  	_ =	swait.ge [sflag:s6], $0x80  }
0xe7: {  	[sflag:s6] =	ssyncset.done $0x0  }
0xe8: {  	[sflag:s6] =	ssyncadd.s32 $0xFFFFFF80  }
0xe9: {  	_ =	swait.ge [sflag:s6], $0x80  }
0xea: {  	[sflag:s6] =	ssyncset.done $0x0  }
0xeb: {  	[sflag:s6] =	ssyncadd.s32 $0xFFFFFF80  }
0xec: {  	_ =	swait.ge [sflag:s6], $0x80  }
0xed: {  	[sflag:s6] =	ssyncset.done $0x0  }
0xee: {  	p1 =	seq.s32 s22, $0x0;
	[sflag:s6] =	ssyncadd.s32 $0xFFFFFF80  }
.Ltmp7:
0xef: {  	_ =	swait.ge [sflag:s6], $0x80;
	(pc) =	sbr.rel @p1 .LBB2_12-.Ltmp7, $4  }
0xf0: {  	[sflag:s6] =	ssyncset.done $0x0  }
0xf1: {  	[sflag:s6] =	ssyncadd.s32 $0xFFFFFF80  }
0xf2: {  	[bflag:$0x0] =	sbarrier.arrive $0xFFFF  }
0xf3: {  	s1 =	smov.u32 s21;
	s16 =	rddreg [dreg:$0x11]  }
.LBB2_17:
0xf4: {  	s16 =	sadd.s32 s0, s16;
	s17 =	sshll.u32 s18, $0x6;
	s1 =	sshrl.u32 s1, $0x3  }
0xf5: {  	s0 =	sadd.s32 $0x40000, s0;
	s22 =	sadd.s32 $0xFFFFFFFF, s22;
	s16 =	sshrl.u32 s16, $0x3  }
0xf6: {  	s12 =	sadd.s32 $0x500, s12;
	s17 =	sor.u32 $0x1C01, s17;
	s16 =	sadd.s32 s8, s16  }
0xf7: {  	[hbm:s16], [sflag:s17] =	dma.local [spmem:s1], $0x1000  }
.LBB2_10:
.Ltmp8:
0xf8: {  	p1 =	seq.s32 s22, $0x40;
	(pc) =	sbr.rel @!p0 .LBB2_11-.Ltmp8, $4  }
0xf9: {  	s1 =	simm.s32 @!p1 $0x1  }
0xfa: {  	_ =	swait.ge @!p1 [sflag:s1], $0x1000  }
0xfb: {  	[sflag:s1] =	ssyncset.done @!p1 $0x0  }
0xfc: {  	[sflag:s1] =	ssyncadd.s32 @!p1 $0xFFFFF000  }
0xfd: {  	[spmem:s14] =	stream.linear.scatter [tilespmem:s11], [sflag:$0x3], $0x800, $0x38;
	[tilespmem:$0x1FD10] =	vst v63  }
0xfe: {  	_ =	swait.ge [sflag:s15], $0x800  }
0xff: {  	[sflag:s15] =	ssyncset.done $0x0  }
0x100: {  	[sflag:s15] =	ssyncadd.s32 $0xFFFFF800  }
0x101: {  	[spmem:s19] =	stream.linear.scatter [tilespmem:s11], [sflag:$0x3], $0x800, $0x38;
	[tilespmem:$0x1FD10] =	vst v63  }
0x102: {  	_ =	swait.ge [sflag:s15], $0x800  }
0x103: {  	[sflag:s15] =	ssyncset.done $0x0  }
0x104: {  	s1 =	rddreg [dreg:$0xd];
	[sflag:s15] =	ssyncadd.s32 $0xFFFFF800  }
0x105: {  	[spmem:s1] =	stream.linear.scatter [tilespmem:s11], [sflag:$0x3], $0x800, $0x38;
	[tilespmem:$0x1FD10] =	vst v63  }
0x106: {  	_ =	swait.ge [sflag:s15], $0x800  }
0x107: {  	[sflag:s15] =	ssyncset.done $0x0  }
0x108: {  	s16 =	rddreg [dreg:$0xe];
	[sflag:s15] =	ssyncadd.s32 $0xFFFFF800  }
0x109: {  	[spmem:s16] =	stream.linear.scatter [tilespmem:s11], [sflag:$0x3], $0x800, $0x38;
	[tilespmem:$0x1FD10] =	vst v63  }
0x10a: {  	_ =	swait.ge [sflag:s15], $0x800  }
0x10b: {  	[sflag:s15] =	ssyncset.done $0x0  }
0x10c: {  	s17 =	rddreg [dreg:$0xf];
	[sflag:s15] =	ssyncadd.s32 $0xFFFFF800  }
0x10d: {  	[spmem:s17] =	stream.linear.scatter [tilespmem:s11], [sflag:$0x3], $0x800, $0x38;
	[tilespmem:$0x1FD10] =	vst v63  }
0x10e: {  	_ =	swait.ge [sflag:s15], $0x800  }
0x10f: {  	[sflag:s15] =	ssyncset.done $0x0  }
0x110: {  	[sflag:s15] =	ssyncadd.s32 $0xFFFFF800  }
0x111: {  	[spmem:s25] =	stream.linear.scatter [tilespmem:s11], [sflag:$0x3], $0x800, $0x38;
	[tilespmem:$0x1FD10] =	vst v63  }
0x112: {  	_ =	swait.ge [sflag:s15], $0x800  }
0x113: {  	[sflag:s15] =	ssyncset.done $0x0  }
0x114: {  	[sflag:s15] =	ssyncadd.s32 $0xFFFFF800  }
0x115: {  	[spmem:s26] =	stream.linear.scatter [tilespmem:s11], [sflag:$0x3], $0x800, $0x38;
	[tilespmem:$0x1FD10] =	vst v63  }
0x116: {  	_ =	swait.ge [sflag:s15], $0x800  }
0x117: {  	[sflag:s15] =	ssyncset.done $0x0  }
0x118: {  	[sflag:s15] =	ssyncadd.s32 $0xFFFFF800  }
0x119: {  	[spmem:s28] =	stream.linear.scatter [tilespmem:s11], [sflag:$0x3], $0x800, $0x38;
	[tilespmem:$0x1FD10] =	vst v63  }
0x11a: {  	_ =	swait.ge [sflag:s15], $0x800  }
0x11b: {  	[sflag:s15] =	ssyncset.done $0x0  }
0x11c: {  	[sflag:s15] =	ssyncadd.s32 $0xFFFFF800  }
0x11d: {  	[spmem:s29] =	stream.linear.scatter [tilespmem:s11], [sflag:$0x3], $0x800, $0x38;
	[tilespmem:$0x1FD10] =	vst v63  }
0x11e: {  	_ =	swait.ge [sflag:s15], $0x800  }
0x11f: {  	[sflag:s15] =	ssyncset.done $0x0  }
0x120: {  	[sflag:s15] =	ssyncadd.s32 $0xFFFFF800  }
0x121: {  	[spmem:s30] =	stream.linear.scatter [tilespmem:s11], [sflag:$0x3], $0x800, $0x38;
	[tilespmem:$0x1FD10] =	vst v63  }
0x122: {  	_ =	swait.ge [sflag:s15], $0x800  }
0x123: {  	[sflag:s15] =	ssyncset.done $0x0  }
0x124: {  	[sflag:s15] =	ssyncadd.s32 $0xFFFFF800  }
0x125: {  	[spmem:s31] =	stream.linear.scatter [tilespmem:s11], [sflag:$0x3], $0x800, $0x38;
	[tilespmem:$0x1FD10] =	vst v63  }
0x126: {  	_ =	swait.ge [sflag:s15], $0x800  }
0x127: {  	[sflag:s15] =	ssyncset.done $0x0  }
0x128: {  	[sflag:s15] =	ssyncadd.s32 $0xFFFFF800  }
0x129: {  	[spmem:s3] =	stream.linear.scatter [tilespmem:s11], [sflag:$0x3], $0x800, $0x38;
	[tilespmem:$0x1FD10] =	vst v63  }
0x12a: {  	_ =	swait.ge [sflag:s15], $0x800  }
0x12b: {  	[sflag:s15] =	ssyncset.done $0x0  }
0x12c: {  	[sflag:s15] =	ssyncadd.s32 $0xFFFFF800  }
0x12d: {  	[spmem:s23] =	stream.linear.scatter [tilespmem:s11], [sflag:$0x3], $0x800, $0x38;
	[tilespmem:$0x1FD10] =	vst v63  }
0x12e: {  	_ =	swait.ge [sflag:s15], $0x800  }
0x12f: {  	[sflag:s15] =	ssyncset.done $0x0  }
0x130: {  	[sflag:s15] =	ssyncadd.s32 $0xFFFFF800  }
0x131: {  	[spmem:s2] =	stream.linear.scatter [tilespmem:s11], [sflag:$0x3], $0x800, $0x38;
	[tilespmem:$0x1FD10] =	vst v63  }
0x132: {  	_ =	swait.ge [sflag:s15], $0x800  }
0x133: {  	[sflag:s15] =	ssyncset.done $0x0  }
0x134: {  	[sflag:s15] =	ssyncadd.s32 $0xFFFFF800  }
0x135: {  	[spmem:s20] =	stream.linear.scatter [tilespmem:s11], [sflag:$0x3], $0x800, $0x38;
	[tilespmem:$0x1FD10] =	vst v63  }
0x136: {  	_ =	swait.ge [sflag:s15], $0x800  }
0x137: {  	[sflag:s15] =	ssyncset.done $0x0  }
0x138: {  	[sflag:s15] =	ssyncadd.s32 $0xFFFFF800  }
0x139: {  	[spmem:s9] =	stream.linear.scatter [tilespmem:s11], [sflag:$0x3], $0x800, $0x38;
	[tilespmem:$0x1FD10] =	vst v63  }
0x13a: {  	_ =	swait.ge [sflag:s15], $0x800  }
0x13b: {  	[sflag:s15] =	ssyncset.done $0x0  }
0x13c: {  	[sflag:s15] =	ssyncadd.s32 $0xFFFFF800  }
0x13d: {  	s16 =	simm.s32 $0x1400;
	[bflag:$0x0] =	sbarrier.arrive $0xFFFF  }
0x13e: {  	[spmem:s5] =	stream.indirect.scatter.add.f32 [tilespmem:s12], [sflag:$0x2], $0x1, s16, s13, $0xb8;
	[tilespmem:$0x1FD10] =	vst v63  }
0x13f: {  	s17 =	sadd.s32 $0x80, s12;
	s16 =	simm.s32 $0x1480  }
0x140: {  	[spmem:s5] =	stream.indirect.scatter.add.f32 [tilespmem:s17], [sflag:$0x2], $0x1, s16, s13, $0xb8;
	[tilespmem:$0x1FD10] =	vst v63  }
0x141: {  	s16 =	sadd.s32 $0x100, s12;
	s17 =	simm.s32 $0x1500  }
0x142: {  	[spmem:s5] =	stream.indirect.scatter.add.f32 [tilespmem:s16], [sflag:$0x2], $0x1, s17, s13, $0xb8;
	[tilespmem:$0x1FD10] =	vst v63  }
0x143: {  	s16 =	sadd.s32 $0x180, s12;
	s17 =	simm.s32 $0x1580  }
0x144: {  	[spmem:s5] =	stream.indirect.scatter.add.f32 [tilespmem:s16], [sflag:$0x2], $0x1, s17, s13, $0xb8;
	[tilespmem:$0x1FD10] =	vst v63  }
0x145: {  	s16 =	sadd.s32 $0x200, s12;
	s17 =	simm.s32 $0x1600  }
0x146: {  	[spmem:s5] =	stream.indirect.scatter.add.f32 [tilespmem:s16], [sflag:$0x2], $0x1, s17, s13, $0xb8;
	[tilespmem:$0x1FD10] =	vst v63  }
0x147: {  	s16 =	sadd.s32 $0x280, s12;
	s17 =	simm.s32 $0x1680  }
0x148: {  	[spmem:s5] =	stream.indirect.scatter.add.f32 [tilespmem:s16], [sflag:$0x2], $0x1, s17, s13, $0xb8;
	[tilespmem:$0x1FD10] =	vst v63  }
0x149: {  	s16 =	sadd.s32 $0x300, s12;
	s17 =	simm.s32 $0x1700  }
0x14a: {  	[spmem:s5] =	stream.indirect.scatter.add.f32 [tilespmem:s16], [sflag:$0x2], $0x1, s17, s13, $0xb8;
	[tilespmem:$0x1FD10] =	vst v63  }
0x14b: {  	s16 =	sadd.s32 $0x380, s12;
	s17 =	simm.s32 $0x1780  }
0x14c: {  	[spmem:s5] =	stream.indirect.scatter.add.f32 [tilespmem:s16], [sflag:$0x2], $0x1, s17, s13, $0xb8;
	[tilespmem:$0x1FD10] =	vst v63  }
0x14d: {  	s16 =	sadd.s32 $0x400, s12;
	s17 =	simm.s32 $0x1800  }
0x14e: {  	[spmem:s5] =	stream.indirect.scatter.add.f32 [tilespmem:s16], [sflag:$0x2], $0x1, s17, s13, $0xb8;
	[tilespmem:$0x1FD10] =	vst v63  }
0x14f: {  	s16 =	sadd.s32 $0x480, s12;
	s17 =	simm.s32 $0x1880  }
0x150: {  	[spmem:s5] =	stream.indirect.scatter.add.f32 [tilespmem:s16], [sflag:$0x2], $0x1, s17, s13, $0xb8;
	[tilespmem:$0x1FD10] =	vst v63  }
0x151: {  	_ =	swait.ge [sflag:s6], $0x80  }
0x152: {  	[sflag:s6] =	ssyncset.done $0x0  }
0x153: {  	[sflag:s6] =	ssyncadd.s32 $0xFFFFFF80  }
0x154: {  	_ =	swait.ge [sflag:s6], $0x80  }
0x155: {  	[sflag:s6] =	ssyncset.done $0x0  }
0x156: {  	[sflag:s6] =	ssyncadd.s32 $0xFFFFFF80  }
0x157: {  	_ =	swait.ge [sflag:s6], $0x80  }
0x158: {  	[sflag:s6] =	ssyncset.done $0x0  }
0x159: {  	[sflag:s6] =	ssyncadd.s32 $0xFFFFFF80  }
0x15a: {  	_ =	swait.ge [sflag:s6], $0x80  }
0x15b: {  	[sflag:s6] =	ssyncset.done $0x0  }
0x15c: {  	[sflag:s6] =	ssyncadd.s32 $0xFFFFFF80  }
0x15d: {  	_ =	swait.ge [sflag:s6], $0x80  }
0x15e: {  	[sflag:s6] =	ssyncset.done $0x0  }
0x15f: {  	[sflag:s6] =	ssyncadd.s32 $0xFFFFFF80  }
0x160: {  	_ =	swait.ge [sflag:s6], $0x80  }
0x161: {  	[sflag:s6] =	ssyncset.done $0x0  }
0x162: {  	[sflag:s6] =	ssyncadd.s32 $0xFFFFFF80  }
0x163: {  	_ =	swait.ge [sflag:s6], $0x80  }
0x164: {  	[sflag:s6] =	ssyncset.done $0x0  }
0x165: {  	[sflag:s6] =	ssyncadd.s32 $0xFFFFFF80  }
0x166: {  	_ =	swait.ge [sflag:s6], $0x80  }
0x167: {  	[sflag:s6] =	ssyncset.done $0x0  }
0x168: {  	[sflag:s6] =	ssyncadd.s32 $0xFFFFFF80  }
0x169: {  	_ =	swait.ge [sflag:s6], $0x80  }
0x16a: {  	[sflag:s6] =	ssyncset.done $0x0  }
0x16b: {  	p1 =	seq.s32 s22, $0x0;
	[sflag:s6] =	ssyncadd.s32 $0xFFFFFF80  }
.Ltmp9:
0x16c: {  	_ =	swait.ge [sflag:s6], $0x80;
	(pc) =	sbr.rel @!p1 .LBB2_17-.Ltmp9, $4  }
0x16d: {  	[sflag:s6] =	ssyncset.done $0x0  }
0x16e: {  	[sflag:s6] =	ssyncadd.s32 $0xFFFFFF80  }
0x16f: {  	[bflag:$0x0] =	sbarrier.arrive $0xFFFF  }
0x170: {  	s1 =	smov.u32 s14;
	s16 =	smov.u32 s10  }
.Ltmp10:
0x171: {  	(pc) =	sbr.rel .LBB2_15-.Ltmp10, $3  }
0x172: {  	_ =	sdelay $0x1  }
0x173: {  	s1 =	rddreg [dreg:$0x10]  }
0x174: {  	s0 =	smov.u32 s14;
	s17 =	sld [smem:$0x7FA]  }
.LBB2_16:
0x175: {  	_ =	sfence.sel $0x180000  }
0x176: {  	[bflag:$0x0] =	sbarrier.arrive $0xFFFF  }
0x177: {  	_ =	strace $0x90000047  }
0x178: {  	[bflag:$0x2] =	sbarrier.arrive $0xFFFF  }
0x179: {  	p0 =	sne.s32 s18, $0x0;
	s0 =	rddreg [dreg:$0x5]  }
0x17a: {  	s0 =	sadd.s32 @!p0 $0x100000, s0  }
0x17b: {  	[sflag:s0] =	ssyncadd.tile.s32 @!p0 $0x1;
	_ =	shalt  }
.Lfunc_end2:
_tile_overlayer_lowered:
.L_overlay_start_2:
0x17c: {  	(tag) =	ssettag $0x2  }
0x17d: {  	s0 =	rddreg [dreg:$0x0];
	s2 =	stileid.u32  }
0x17e: {  	s1 =	rddreg [dreg:$0x1];
	p0 =	sne.s32 s2, $0x0  }
0x17f: {  	s3 =	rddreg [dreg:$0x2];
	[bflag:$0x3] =	sbarrier.arrive $0xFFFF;
	s2 =	simm.s32 @!p0 $0x1C03  }
0x180: {  	[timem:s3], [sflag:s2] =	dma.local @!p0 [hbm:s0], s1  }
0x181: {  	s0 =	simm.s32 @!p0 $0x3  }
0x182: {  	_ =	swait.ge @!p0 [sflag:s0], s1  }
0x183: {  	s1 =	ssub.s32 @!p0 $0x0, s1;
	[sflag:s0] =	ssyncset.done @!p0 $0x0  }
0x184: {  	[sflag:s0] =	ssyncadd.s32 @!p0 s1  }
0x185: {  	[bflag:$0x3] =	sbarrier.arrive $0xFFFF  }
0x186: {  	_ =	shalt  }

</sc_bundles>
